<compile_context>
chip_gen: v7x
topology: tpu7x:2x2x1
jax: 0.10.2.dev20260603
libtpu: 0.0.44.dev20260713+nightly
codegen_flags: <defaults>
</compile_context>

<pallas_src>
import functools
import math

import jax
import jax.numpy as jnp
import numpy as np
from jax import lax
from jax.experimental import pallas as pl
from jax.experimental.pallas import tpu as pltpu
from jax.experimental.pallas import tpu_sc as plsc

N = 32768
D = 3
T = 16
RESOLUTION = 64
RADIUS = 1.0
SCALE = 8.0
MAX_CHANNELS = 4
BATCH_LEN = 16
NUM_SEG = BATCH_LEN * MAX_CHANNELS
ROW = RESOLUTION * T
ACC = NUM_SEG * ROW

SCN = 8192
TCN = N - SCN

NC = 2
NS = 16
NW = NC * NS
PPW = SCN // NW

_LIN = np.linspace(-RADIUS, RADIUS, RESOLUTION).astype(np.float64)
_AVALS = [float(a) for a in np.exp(-SCALE * _LIN)]

_mesh = plsc.VectorSubcoreMesh(core_axis_name="c", subcore_axis_name="s")


@functools.partial(
    pl.kernel,
    mesh=_mesh,
    out_type=jax.ShapeDtypeStruct((NW, ACC), jnp.float32),
    scratch_types=[
        pltpu.VMEM((PPW + 16,), jnp.float32),
        pltpu.VMEM((PPW + 16,), jnp.float32),
        pltpu.VMEM((PPW + 16,), jnp.float32),
        pltpu.VMEM((PPW + 16,), jnp.int32),
        pltpu.VMEM((PPW + 16,), jnp.int32),
        pltpu.VMEM((D, T), jnp.float32),
        pltpu.VMEM((ACC,), jnp.float32),
    ],
)
def _sc_partials(x0_hbm, x1_hbm, x2_hbm, v_hbm, ind_hbm, ch_hbm, out_hbm,
                 x0_v, x1_v, x2_v, ind_v, ch_v, v_v, acc_v):
    wid = lax.axis_index("s") * NC + lax.axis_index("c")
    base = wid * PPW

    pltpu.sync_copy(x0_hbm.at[pl.ds(base, PPW)], x0_v.at[pl.ds(0, PPW)])
    pltpu.sync_copy(x1_hbm.at[pl.ds(base, PPW)], x1_v.at[pl.ds(0, PPW)])
    pltpu.sync_copy(x2_hbm.at[pl.ds(base, PPW)], x2_v.at[pl.ds(0, PPW)])
    pltpu.sync_copy(ind_hbm.at[pl.ds(base, PPW)], ind_v.at[pl.ds(0, PPW)])
    pltpu.sync_copy(ch_hbm.at[pl.ds(base, PPW)], ch_v.at[pl.ds(0, PPW)])
    pltpu.sync_copy(v_hbm, v_v)

    zero16 = jnp.zeros((16,), jnp.float32)

    def zero_body(i, carry):
        acc_v[pl.ds(i * 16, 16)] = zero16
        return carry

    lax.fori_loop(0, ACC // 16, zero_body, 0)

    v0 = v_v[0]
    v1 = v_v[1]
    v2 = v_v[2]

    def point_body(i, carry):
        x0 = x0_v[pl.ds(i, 16)][0]
        x1 = x1_v[pl.ds(i, 16)][0]
        x2 = x2_v[pl.ds(i, 16)][0]
        nh = x0 * v0 + x1 * v1 + x2 * v2
        e = jnp.exp(SCALE * nh)
        seg = (MAX_CHANNELS * ind_v[pl.ds(i, 16)][0]
               + ch_v[pl.ds(i, 16)][0])
        rowbase = seg * ROW
        for r in range(RESOLUTION):
            sig = 1.0 / (1.0 + e * _AVALS[r])
            off = rowbase + r * T
            plsc.addupdate(acc_v.at[pl.ds(off, 16)], sig)
        return carry

    lax.fori_loop(0, PPW, point_body, 0)

    pltpu.sync_copy(acc_v, out_hbm.at[wid])


CHUNK = 4096
NUM_BLOCKS = TCN // CHUNK

_A = SCALE * math.log2(math.e)
_CLAMP = 126.0

_S = (np.arange(T)[:, None] == (np.arange(T * RESOLUTION)[None, :] % T)).astype(
    np.float64
) * np.exp2(-_A * _LIN)[np.arange(T * RESOLUTION) // T][None, :]
_S = _S.astype(np.float32)


def _tc_kernel(x_ref, v_ref, s_ref, index_ref, chan_ref, out_ref):
    step = pl.program_id(0)

    x = x_ref[...]
    v2 = _A * v_ref[...]
    m = jnp.dot(x, v2, preferred_element_type=jnp.float32)
    m = jnp.clip(m, -_CLAMP, _CLAMP)
    e = jnp.exp2(m).astype(jnp.bfloat16)

    p = jnp.dot(e, s_ref[...], preferred_element_type=jnp.float32)
    sigb = (1.0 / (1.0 + p)).astype(jnp.bfloat16)

    idx = MAX_CHANNELS * index_ref[0] + chan_ref[0]
    seg = jax.lax.broadcasted_iota(jnp.int32, (NUM_SEG, CHUNK), 0)
    onehot = (idx == seg).astype(jnp.bfloat16)

    contrib = jnp.dot(onehot, sigb, preferred_element_type=jnp.float32)

    @pl.when(step == 0)
    def _init():
        out_ref[...] = contrib

    @pl.when(step > 0)
    def _acc():
        out_ref[...] = out_ref[...] + contrib


def _combine_kernel(sc_ref, tc_ref, out_ref):
    acc = jnp.sum(sc_ref[...], axis=0) + tc_ref[...]
    mx = jnp.max(acc, axis=1, keepdims=True)
    mx = jnp.where(mx == 0.0, 1.0, mx)
    out_ref[...] = acc / mx


@jax.jit
def kernel(x, v, index, channels):
    index = index.astype(jnp.int32)
    channels = channels.astype(jnp.int32)

    xs = x[:SCN]
    sc_parts = _sc_partials(xs[:, 0], xs[:, 1], xs[:, 2], v, index, channels)
    sc_parts = sc_parts.reshape(NW, NUM_SEG, ROW)

    x_tc = x[SCN:]
    index3 = index[SCN:].reshape(NUM_BLOCKS, 1, CHUNK)
    chan3 = channels[SCN:].reshape(NUM_BLOCKS, 1, CHUNK)
    s = jnp.asarray(_S, dtype=jnp.bfloat16)

    tc_part = pl.pallas_call(
        _tc_kernel,
        grid=(NUM_BLOCKS,),
        in_specs=[
            pl.BlockSpec((CHUNK, D), lambda i: (i, 0)),
            pl.BlockSpec((D, T), lambda i: (0, 0)),
            pl.BlockSpec((T, T * RESOLUTION), lambda i: (0, 0)),
            pl.BlockSpec((1, 1, CHUNK), lambda i: (i, 0, 0)),
            pl.BlockSpec((1, 1, CHUNK), lambda i: (i, 0, 0)),
        ],
        out_specs=pl.BlockSpec((NUM_SEG, ROW), lambda i: (0, 0)),
        out_shape=jax.ShapeDtypeStruct((NUM_SEG, ROW), jnp.float32),
    )(x_tc, v, s, index3, chan3)

    out = pl.pallas_call(
        _combine_kernel,
        grid=(1,),
        in_specs=[
            pl.BlockSpec((NW, NUM_SEG, ROW), lambda i: (0, 0, 0)),
            pl.BlockSpec((NUM_SEG, ROW), lambda i: (0, 0)),
        ],
        out_specs=pl.BlockSpec((NUM_SEG, ROW), lambda i: (0, 0)),
        out_shape=jax.ShapeDtypeStruct((NUM_SEG, ROW), jnp.float32),
    )(sc_parts, tc_part)

    return out.reshape(BATCH_LEN, MAX_CHANNELS, RESOLUTION, T)

# --- scband reference (transcript-rebuilt; emitter-appended) ---
"""Pipeline reference for scband-ect-channels-transform-39281770889251 (READ-ONLY COPY).

The authoritative reference and input builder live on the scoring server;
editing this copy changes nothing except your own understanding.
"""

import jax, jax.numpy as jnp
import numpy as np

N = 32768
D = 3
T = 16
RESOLUTION = 64
RADIUS = 1.0
SCALE = 8.0
MAX_CHANNELS = 4


def setup_inputs(seed: int = 0) -> dict:
    key = jax.random.key(seed)
    k1, k2, k3, k4 = jax.random.split(key, 4)
    x = jax.random.normal(k1, (N, D), dtype=jnp.float32)
    # uniform random directions on the sphere (columns normalized), shape [d, num_thetas]
    v = jax.random.normal(k2, (D, T), dtype=jnp.float32)
    v = v / jnp.linalg.norm(v, axis=0, keepdims=True)
    index = jnp.sort(jax.random.randint(k3, (N,), 0, 16, dtype=jnp.int32))
    channels = jax.random.randint(k4, (N,), 0, MAX_CHANNELS, dtype=jnp.int32)
    return {"x": x, "v": v, "index": index, "channels": channels}


def reference(x, v, index, channels):
    max_channels = MAX_CHANNELS
    batch_len = 16
    idx = max_channels * index + channels
    num_thetas = v.shape[1]
    nh = x @ v  # [N, T]
    lin = jnp.linspace(-RADIUS, RADIUS, RESOLUTION, dtype=jnp.float32).reshape(-1, 1, 1)
    ecc = jax.nn.sigmoid(SCALE * (lin - nh))  # [R, N, T]
    out = jnp.zeros((RESOLUTION, batch_len * max_channels, num_thetas), dtype=jnp.float32)
    out = out.at[:, idx, :].add(ecc)
    ect = jnp.moveaxis(out, 0, 1)  # [B*C, R, T]
    ect = ect.reshape(-1, max_channels, RESOLUTION, num_thetas)
    amax = jnp.amax(ect, axis=(-1, -2), keepdims=True)
    amax = jnp.where(amax == 0, jnp.ones_like(amax), amax)
    return ect / amax

if __name__ == "__main__":
    import jax
    _d = setup_inputs()
    print(jax.jit(kernel)(*tuple(_d.values())))

</pallas_src>

<mosaic_0001>
#map = affine_map<(d0, d1) -> (0)>
#map1 = affine_map<(d0, d1) -> (0, 0)>
module attributes {stable_mosaic.version = 14 : i64} {
  func.func @_sc_partials(%arg0: i32, %arg1: i32, %arg2: memref<8192xf32, #tpu.memory_space<hbm>>, %arg3: memref<8192xf32, #tpu.memory_space<hbm>>, %arg4: memref<8192xf32, #tpu.memory_space<hbm>>, %arg5: memref<3x16xf32, #tpu.memory_space<hbm>>, %arg6: memref<32768xi32, #tpu.memory_space<hbm>>, %arg7: memref<32768xi32, #tpu.memory_space<hbm>>, %arg8: memref<32x65536xf32, #tpu.memory_space<hbm>>, %arg9: memref<272xf32, #tpu.memory_space<vmem>>, %arg10: memref<272xf32, #tpu.memory_space<vmem>>, %arg11: memref<272xf32, #tpu.memory_space<vmem>>, %arg12: memref<272xi32, #tpu.memory_space<vmem>>, %arg13: memref<272xi32, #tpu.memory_space<vmem>>, %arg14: memref<3x16xf32, #tpu.memory_space<vmem>>, %arg15: memref<65536xf32, #tpu.memory_space<vmem>>) attributes {dimension_semantics = [#tpu.dimension_semantics<core_parallel>, #tpu.dimension_semantics<subcore_parallel>], iteration_bounds = array<i64: 2, 16>, scalar_prefetch = 0 : i64, scratch_operands = 7 : i64, tpu.core_type = #tpu.core_type<sc_vector_subcore>, window_params = [{transform_indices = #map}, {transform_indices = #map}, {transform_indices = #map}, {transform_indices = #map1}, {transform_indices = #map}, {transform_indices = #map}, {transform_indices = #map1}]} {
    %mul3A = arith.constant 2 : i32
    %mul3A_0 = arith.muli %arg1, %mul3A : i32
    %add3A = arith.addi %mul3A_0, %arg0 : i32
    %mul3A_1 = arith.constant 256 : i32
    %mul3A_2 = arith.muli %add3A, %mul3A_1 : i32
    "tpu.region"() ({
      %run_scoped3A = tpu.sem_alloc : memref<!tpu.dma_semaphore, #tpu.memory_space<semaphore_mem>>
      %dma_start3A = arith.constant 0 : i32
      %dma_start3A_29 = tpu.memref_slice %arg9[%dma_start3A] : memref<272xf32, #tpu.memory_space<vmem>> -> memref<256xf32, #tpu.memory_space<vmem>>
      %dma_start3A_30 = tpu.memref_slice %arg2[%mul3A_2] : memref<8192xf32, #tpu.memory_space<hbm>> -> memref<256xf32, #tpu.memory_space<hbm>>
      %dma_start3A_31 = arith.constant 0 : i32
      %dma_start3A_32 = tpu.memref_slice %arg9[%dma_start3A_31] : memref<272xf32, #tpu.memory_space<vmem>> -> memref<256xf32, #tpu.memory_space<vmem>>
      %dma_start3A_33 = tpu.memref_slice %arg2[%mul3A_2] : memref<8192xf32, #tpu.memory_space<hbm>> -> memref<256xf32, #tpu.memory_space<hbm>>
      tpu.enqueue_dma source(%dma_start3A_33 : memref<256xf32, #tpu.memory_space<hbm>>) target(%dma_start3A_32 : memref<256xf32, #tpu.memory_space<vmem>>) target_semaphore(%run_scoped3A : memref<!tpu.dma_semaphore, #tpu.memory_space<semaphore_mem>>)
      %dma_wait3A = arith.constant 0 : i32
      %dma_wait3A_34 = tpu.memref_slice %arg9[%dma_wait3A] : memref<272xf32, #tpu.memory_space<vmem>> -> memref<256xf32, #tpu.memory_space<vmem>>
      %dma_wait3A_35 = tpu.memref_slice %arg2[%mul3A_2] : memref<8192xf32, #tpu.memory_space<hbm>> -> memref<256xf32, #tpu.memory_space<hbm>>
      %dma_wait3A_36 = arith.constant 0 : i32
      %dma_wait3A_37 = tpu.memref_slice %arg9[%dma_wait3A_36] : memref<272xf32, #tpu.memory_space<vmem>> -> memref<256xf32, #tpu.memory_space<vmem>>
      %dma_wait3A_38 = tpu.memref_slice %arg2[%mul3A_2] : memref<8192xf32, #tpu.memory_space<hbm>> -> memref<256xf32, #tpu.memory_space<hbm>>
      tpu.wait_dma2 semaphore(%run_scoped3A : memref<!tpu.dma_semaphore, #tpu.memory_space<semaphore_mem>>) src(%dma_wait3A_38 : memref<256xf32, #tpu.memory_space<hbm>>) dst(%dma_wait3A_37 : memref<256xf32, #tpu.memory_space<vmem>>)
      tpu.yield
    }) : () -> ()
    "tpu.region"() ({
      %run_scoped3A = tpu.sem_alloc : memref<!tpu.dma_semaphore, #tpu.memory_space<semaphore_mem>>
      %dma_start3A = arith.constant 0 : i32
      %dma_start3A_29 = tpu.memref_slice %arg10[%dma_start3A] : memref<272xf32, #tpu.memory_space<vmem>> -> memref<256xf32, #tpu.memory_space<vmem>>
      %dma_start3A_30 = tpu.memref_slice %arg3[%mul3A_2] : memref<8192xf32, #tpu.memory_space<hbm>> -> memref<256xf32, #tpu.memory_space<hbm>>
      %dma_start3A_31 = arith.constant 0 : i32
      %dma_start3A_32 = tpu.memref_slice %arg10[%dma_start3A_31] : memref<272xf32, #tpu.memory_space<vmem>> -> memref<256xf32, #tpu.memory_space<vmem>>
      %dma_start3A_33 = tpu.memref_slice %arg3[%mul3A_2] : memref<8192xf32, #tpu.memory_space<hbm>> -> memref<256xf32, #tpu.memory_space<hbm>>
      tpu.enqueue_dma source(%dma_start3A_33 : memref<256xf32, #tpu.memory_space<hbm>>) target(%dma_start3A_32 : memref<256xf32, #tpu.memory_space<vmem>>) target_semaphore(%run_scoped3A : memref<!tpu.dma_semaphore, #tpu.memory_space<semaphore_mem>>)
      %dma_wait3A = arith.constant 0 : i32
      %dma_wait3A_34 = tpu.memref_slice %arg10[%dma_wait3A] : memref<272xf32, #tpu.memory_space<vmem>> -> memref<256xf32, #tpu.memory_space<vmem>>
      %dma_wait3A_35 = tpu.memref_slice %arg3[%mul3A_2] : memref<8192xf32, #tpu.memory_space<hbm>> -> memref<256xf32, #tpu.memory_space<hbm>>
      %dma_wait3A_36 = arith.constant 0 : i32
      %dma_wait3A_37 = tpu.memref_slice %arg10[%dma_wait3A_36] : memref<272xf32, #tpu.memory_space<vmem>> -> memref<256xf32, #tpu.memory_space<vmem>>
      %dma_wait3A_38 = tpu.memref_slice %arg3[%mul3A_2] : memref<8192xf32, #tpu.memory_space<hbm>> -> memref<256xf32, #tpu.memory_space<hbm>>
      tpu.wait_dma2 semaphore(%run_scoped3A : memref<!tpu.dma_semaphore, #tpu.memory_space<semaphore_mem>>) src(%dma_wait3A_38 : memref<256xf32, #tpu.memory_space<hbm>>) dst(%dma_wait3A_37 : memref<256xf32, #tpu.memory_space<vmem>>)
      tpu.yield
    }) : () -> ()
    "tpu.region"() ({
      %run_scoped3A = tpu.sem_alloc : memref<!tpu.dma_semaphore, #tpu.memory_space<semaphore_mem>>
      %dma_start3A = arith.constant 0 : i32
      %dma_start3A_29 = tpu.memref_slice %arg11[%dma_start3A] : memref<272xf32, #tpu.memory_space<vmem>> -> memref<256xf32, #tpu.memory_space<vmem>>
      %dma_start3A_30 = tpu.memref_slice %arg4[%mul3A_2] : memref<8192xf32, #tpu.memory_space<hbm>> -> memref<256xf32, #tpu.memory_space<hbm>>
      %dma_start3A_31 = arith.constant 0 : i32
      %dma_start3A_32 = tpu.memref_slice %arg11[%dma_start3A_31] : memref<272xf32, #tpu.memory_space<vmem>> -> memref<256xf32, #tpu.memory_space<vmem>>
      %dma_start3A_33 = tpu.memref_slice %arg4[%mul3A_2] : memref<8192xf32, #tpu.memory_space<hbm>> -> memref<256xf32, #tpu.memory_space<hbm>>
      tpu.enqueue_dma source(%dma_start3A_33 : memref<256xf32, #tpu.memory_space<hbm>>) target(%dma_start3A_32 : memref<256xf32, #tpu.memory_space<vmem>>) target_semaphore(%run_scoped3A : memref<!tpu.dma_semaphore, #tpu.memory_space<semaphore_mem>>)
      %dma_wait3A = arith.constant 0 : i32
      %dma_wait3A_34 = tpu.memref_slice %arg11[%dma_wait3A] : memref<272xf32, #tpu.memory_space<vmem>> -> memref<256xf32, #tpu.memory_space<vmem>>
      %dma_wait3A_35 = tpu.memref_slice %arg4[%mul3A_2] : memref<8192xf32, #tpu.memory_space<hbm>> -> memref<256xf32, #tpu.memory_space<hbm>>
      %dma_wait3A_36 = arith.constant 0 : i32
      %dma_wait3A_37 = tpu.memref_slice %arg11[%dma_wait3A_36] : memref<272xf32, #tpu.memory_space<vmem>> -> memref<256xf32, #tpu.memory_space<vmem>>
      %dma_wait3A_38 = tpu.memref_slice %arg4[%mul3A_2] : memref<8192xf32, #tpu.memory_space<hbm>> -> memref<256xf32, #tpu.memory_space<hbm>>
      tpu.wait_dma2 semaphore(%run_scoped3A : memref<!tpu.dma_semaphore, #tpu.memory_space<semaphore_mem>>) src(%dma_wait3A_38 : memref<256xf32, #tpu.memory_space<hbm>>) dst(%dma_wait3A_37 : memref<256xf32, #tpu.memory_space<vmem>>)
      tpu.yield
    }) : () -> ()
    "tpu.region"() ({
      %run_scoped3A = tpu.sem_alloc : memref<!tpu.dma_semaphore, #tpu.memory_space<semaphore_mem>>
      %dma_start3A = arith.constant 0 : i32
      %dma_start3A_29 = tpu.memref_slice %arg12[%dma_start3A] : memref<272xi32, #tpu.memory_space<vmem>> -> memref<256xi32, #tpu.memory_space<vmem>>
      %dma_start3A_30 = tpu.memref_slice %arg6[%mul3A_2] : memref<32768xi32, #tpu.memory_space<hbm>> -> memref<256xi32, #tpu.memory_space<hbm>>
      %dma_start3A_31 = arith.constant 0 : i32
      %dma_start3A_32 = tpu.memref_slice %arg12[%dma_start3A_31] : memref<272xi32, #tpu.memory_space<vmem>> -> memref<256xi32, #tpu.memory_space<vmem>>
      %dma_start3A_33 = tpu.memref_slice %arg6[%mul3A_2] : memref<32768xi32, #tpu.memory_space<hbm>> -> memref<256xi32, #tpu.memory_space<hbm>>
      tpu.enqueue_dma source(%dma_start3A_33 : memref<256xi32, #tpu.memory_space<hbm>>) target(%dma_start3A_32 : memref<256xi32, #tpu.memory_space<vmem>>) target_semaphore(%run_scoped3A : memref<!tpu.dma_semaphore, #tpu.memory_space<semaphore_mem>>)
      %dma_wait3A = arith.constant 0 : i32
      %dma_wait3A_34 = tpu.memref_slice %arg12[%dma_wait3A] : memref<272xi32, #tpu.memory_space<vmem>> -> memref<256xi32, #tpu.memory_space<vmem>>
      %dma_wait3A_35 = tpu.memref_slice %arg6[%mul3A_2] : memref<32768xi32, #tpu.memory_space<hbm>> -> memref<256xi32, #tpu.memory_space<hbm>>
      %dma_wait3A_36 = arith.constant 0 : i32
      %dma_wait3A_37 = tpu.memref_slice %arg12[%dma_wait3A_36] : memref<272xi32, #tpu.memory_space<vmem>> -> memref<256xi32, #tpu.memory_space<vmem>>
      %dma_wait3A_38 = tpu.memref_slice %arg6[%mul3A_2] : memref<32768xi32, #tpu.memory_space<hbm>> -> memref<256xi32, #tpu.memory_space<hbm>>
      tpu.wait_dma2 semaphore(%run_scoped3A : memref<!tpu.dma_semaphore, #tpu.memory_space<semaphore_mem>>) src(%dma_wait3A_38 : memref<256xi32, #tpu.memory_space<hbm>>) dst(%dma_wait3A_37 : memref<256xi32, #tpu.memory_space<vmem>>)
      tpu.yield
    }) : () -> ()
    "tpu.region"() ({
      %run_scoped3A = tpu.sem_alloc : memref<!tpu.dma_semaphore, #tpu.memory_space<semaphore_mem>>
      %dma_start3A = arith.constant 0 : i32
      %dma_start3A_29 = tpu.memref_slice %arg13[%dma_start3A] : memref<272xi32, #tpu.memory_space<vmem>> -> memref<256xi32, #tpu.memory_space<vmem>>
      %dma_start3A_30 = tpu.memref_slice %arg7[%mul3A_2] : memref<32768xi32, #tpu.memory_space<hbm>> -> memref<256xi32, #tpu.memory_space<hbm>>
      %dma_start3A_31 = arith.constant 0 : i32
      %dma_start3A_32 = tpu.memref_slice %arg13[%dma_start3A_31] : memref<272xi32, #tpu.memory_space<vmem>> -> memref<256xi32, #tpu.memory_space<vmem>>
      %dma_start3A_33 = tpu.memref_slice %arg7[%mul3A_2] : memref<32768xi32, #tpu.memory_space<hbm>> -> memref<256xi32, #tpu.memory_space<hbm>>
      tpu.enqueue_dma source(%dma_start3A_33 : memref<256xi32, #tpu.memory_space<hbm>>) target(%dma_start3A_32 : memref<256xi32, #tpu.memory_space<vmem>>) target_semaphore(%run_scoped3A : memref<!tpu.dma_semaphore, #tpu.memory_space<semaphore_mem>>)
      %dma_wait3A = arith.constant 0 : i32
      %dma_wait3A_34 = tpu.memref_slice %arg13[%dma_wait3A] : memref<272xi32, #tpu.memory_space<vmem>> -> memref<256xi32, #tpu.memory_space<vmem>>
      %dma_wait3A_35 = tpu.memref_slice %arg7[%mul3A_2] : memref<32768xi32, #tpu.memory_space<hbm>> -> memref<256xi32, #tpu.memory_space<hbm>>
      %dma_wait3A_36 = arith.constant 0 : i32
      %dma_wait3A_37 = tpu.memref_slice %arg13[%dma_wait3A_36] : memref<272xi32, #tpu.memory_space<vmem>> -> memref<256xi32, #tpu.memory_space<vmem>>
      %dma_wait3A_38 = tpu.memref_slice %arg7[%mul3A_2] : memref<32768xi32, #tpu.memory_space<hbm>> -> memref<256xi32, #tpu.memory_space<hbm>>
      tpu.wait_dma2 semaphore(%run_scoped3A : memref<!tpu.dma_semaphore, #tpu.memory_space<semaphore_mem>>) src(%dma_wait3A_38 : memref<256xi32, #tpu.memory_space<hbm>>) dst(%dma_wait3A_37 : memref<256xi32, #tpu.memory_space<vmem>>)
      tpu.yield
    }) : () -> ()
    "tpu.region"() ({
      %run_scoped3A = tpu.sem_alloc : memref<!tpu.dma_semaphore, #tpu.memory_space<semaphore_mem>>
      tpu.enqueue_dma source(%arg5 : memref<3x16xf32, #tpu.memory_space<hbm>>) target(%arg14 : memref<3x16xf32, #tpu.memory_space<vmem>>) target_semaphore(%run_scoped3A : memref<!tpu.dma_semaphore, #tpu.memory_space<semaphore_mem>>)
      tpu.wait_dma2 semaphore(%run_scoped3A : memref<!tpu.dma_semaphore, #tpu.memory_space<semaphore_mem>>) src(%arg5 : memref<3x16xf32, #tpu.memory_space<hbm>>) dst(%arg14 : memref<3x16xf32, #tpu.memory_space<vmem>>)
      tpu.yield
    }) : () -> ()
    %broadcast_in_dim3A = arith.constant 0.000000e+00 : f32
    %broadcast_in_dim3A_3 = vector.broadcast %broadcast_in_dim3A : f32 to vector<16xf32>
    %scan3A = arith.constant 0 : i32
    %scan3A_4 = arith.constant 0 : i32
    %scan3A_5 = arith.constant 4096 : i32
    %scan3A_6 = arith.addi %scan3A_4, %scan3A_5 : i32
    %scan3A_7 = arith.constant 1 : i32
    scf.for %scan3A_29 = %scan3A_4 to %scan3A_6 step %scan3A_7  : i32 {
      %mul3A_30 = arith.constant 16 : i32
      %mul3A_31 = arith.muli %scan3A_29, %mul3A_30 : i32
      %swap3A = arith.index_cast %mul3A_31 : i32 to index
      %swap3A_32 = tpu.vector_load %arg15[%swap3A] {strides = array<i32>} : memref<65536xf32, #tpu.memory_space<vmem>>, vector<16xf32>,
      %swap3A_33 = vector.shape_cast %swap3A_32 : vector<16xf32> to vector<16xf32>
      %swap3A_34 = vector.shape_cast %broadcast_in_dim3A_3 : vector<16xf32> to vector<16xf32>
      tpu.vector_store %arg15[%swap3A], %swap3A_34 {strides = array<i32>} : memref<65536xf32, #tpu.memory_space<vmem>>, vector<16xf32>,
    }
    %scan3A_8 = arith.constant 4096 : i32
    %get3A = arith.constant 0 : i32
    %get3A_9 = arith.index_cast %get3A : i32 to index
    %get3A_10 = arith.constant 0 : index
    %get3A_11 = tpu.vector_load %arg14[%get3A_9, %get3A_10] {strides = array<i32>} : memref<3x16xf32, #tpu.memory_space<vmem>>, vector<1x16xf32>,
    %get3A_12 = vector.shape_cast %get3A_11 : vector<1x16xf32> to vector<16xf32>
    %get3A_13 = arith.constant 1 : i32
    %get3A_14 = arith.index_cast %get3A_13 : i32 to index
    %get3A_15 = arith.constant 0 : index
    %get3A_16 = tpu.vector_load %arg14[%get3A_14, %get3A_15] {strides = array<i32>} : memref<3x16xf32, #tpu.memory_space<vmem>>, vector<1x16xf32>,
    %get3A_17 = vector.shape_cast %get3A_16 : vector<1x16xf32> to vector<16xf32>
    %get3A_18 = arith.constant 2 : i32
    %get3A_19 = arith.index_cast %get3A_18 : i32 to index
    %get3A_20 = arith.constant 0 : index
    %get3A_21 = tpu.vector_load %arg14[%get3A_19, %get3A_20] {strides = array<i32>} : memref<3x16xf32, #tpu.memory_space<vmem>>, vector<1x16xf32>,
    %get3A_22 = vector.shape_cast %get3A_21 : vector<1x16xf32> to vector<16xf32>
    %scan3A_23 = arith.constant 0 : i32
    %scan3A_24 = arith.constant 0 : i32
    %scan3A_25 = arith.constant 256 : i32
    %scan3A_26 = arith.addi %scan3A_24, %scan3A_25 : i32
    %scan3A_27 = arith.constant 1 : i32
    scf.for %scan3A_29 = %scan3A_24 to %scan3A_26 step %scan3A_27  : i32 {
      %get3A_30 = arith.index_cast %scan3A_29 : i32 to index
      %get3A_31 = tpu.vector_load %arg9[%get3A_30] {strides = array<i32>} : memref<272xf32, #tpu.memory_space<vmem>>, vector<16xf32>,
      %get3A_32 = vector.shape_cast %get3A_31 : vector<16xf32> to vector<16xf32>
      %slice3A = vector.extract_strided_slice %get3A_32 {offsets = [0], sizes = [1], strides = [1]} : vector<16xf32> to vector<1xf32>
      %squeeze3A = vector.extract %slice3A[0] : f32 from vector<1xf32>
      %get3A_33 = arith.index_cast %scan3A_29 : i32 to index
      %get3A_34 = tpu.vector_load %arg10[%get3A_33] {strides = array<i32>} : memref<272xf32, #tpu.memory_space<vmem>>, vector<16xf32>,
      %get3A_35 = vector.shape_cast %get3A_34 : vector<16xf32> to vector<16xf32>
      %slice3A_36 = vector.extract_strided_slice %get3A_35 {offsets = [0], sizes = [1], strides = [1]} : vector<16xf32> to vector<1xf32>
      %squeeze3A_37 = vector.extract %slice3A_36[0] : f32 from vector<1xf32>
      %get3A_38 = arith.index_cast %scan3A_29 : i32 to index
      %get3A_39 = tpu.vector_load %arg11[%get3A_38] {strides = array<i32>} : memref<272xf32, #tpu.memory_space<vmem>>, vector<16xf32>,
      %get3A_40 = vector.shape_cast %get3A_39 : vector<16xf32> to vector<16xf32>
      %slice3A_41 = vector.extract_strided_slice %get3A_40 {offsets = [0], sizes = [1], strides = [1]} : vector<16xf32> to vector<1xf32>
      %squeeze3A_42 = vector.extract %slice3A_41[0] : f32 from vector<1xf32>
      %mul3A_43 = vector.broadcast %squeeze3A : f32 to vector<16xf32>
      %mul3A_44 = arith.mulf %mul3A_43, %get3A_12 : vector<16xf32>
      %mul3A_45 = vector.broadcast %squeeze3A_37 : f32 to vector<16xf32>
      %mul3A_46 = arith.mulf %mul3A_45, %get3A_17 : vector<16xf32>
      %add3A_47 = arith.addf %mul3A_44, %mul3A_46 : vector<16xf32>
      %mul3A_48 = vector.broadcast %squeeze3A_42 : f32 to vector<16xf32>
      %mul3A_49 = arith.mulf %mul3A_48, %get3A_22 : vector<16xf32>
      %add3A_50 = arith.addf %add3A_47, %mul3A_49 : vector<16xf32>
      %mul3A_51 = arith.constant 8.000000e+00 : f32
      %mul3A_52 = vector.broadcast %mul3A_51 : f32 to vector<16xf32>
      %mul3A_53 = arith.mulf %mul3A_52, %add3A_50 : vector<16xf32>
      %exp3A = math.exp %mul3A_53 : vector<16xf32>
      %get3A_54 = arith.index_cast %scan3A_29 : i32 to index
      %get3A_55 = tpu.vector_load %arg12[%get3A_54] {strides = array<i32>} : memref<272xi32, #tpu.memory_space<vmem>>, vector<16xi32>,
      %get3A_56 = vector.shape_cast %get3A_55 : vector<16xi32> to vector<16xi32>
      %slice3A_57 = vector.extract_strided_slice %get3A_56 {offsets = [0], sizes = [1], strides = [1]} : vector<16xi32> to vector<1xi32>
      %squeeze3A_58 = vector.extract %slice3A_57[0] : i32 from vector<1xi32>
      %mul3A_59 = arith.constant 4 : i32
      %mul3A_60 = arith.muli %mul3A_59, %squeeze3A_58 : i32
      %get3A_61 = arith.index_cast %scan3A_29 : i32 to index
      %get3A_62 = tpu.vector_load %arg13[%get3A_61] {strides = array<i32>} : memref<272xi32, #tpu.memory_space<vmem>>, vector<16xi32>,
      %get3A_63 = vector.shape_cast %get3A_62 : vector<16xi32> to vector<16xi32>
      %slice3A_64 = vector.extract_strided_slice %get3A_63 {offsets = [0], sizes = [1], strides = [1]} : vector<16xi32> to vector<1xi32>
      %squeeze3A_65 = vector.extract %slice3A_64[0] : i32 from vector<1xi32>
      %add3A_66 = arith.addi %mul3A_60, %squeeze3A_65 : i32
      %mul3A_67 = arith.constant 1024 : i32
      %mul3A_68 = arith.muli %add3A_66, %mul3A_67 : i32
      %mul3A_69 = arith.constant 2980.95801 : f32
      %mul3A_70 = vector.broadcast %mul3A_69 : f32 to vector<16xf32>
      %mul3A_71 = arith.mulf %exp3A, %mul3A_70 : vector<16xf32>
      %add3A_72 = arith.constant 1.000000e+00 : f32
      %add3A_73 = vector.broadcast %add3A_72 : f32 to vector<16xf32>
      %add3A_74 = arith.addf %add3A_73, %mul3A_71 : vector<16xf32>
      %div3A = arith.constant 1.000000e+00 : f32
      %div3A_75 = vector.broadcast %div3A : f32 to vector<16xf32>
      %div3A_76 = arith.divf %div3A_75, %add3A_74 : vector<16xf32>
      %add3A_77 = arith.constant 0 : i32
      %add3A_78 = arith.addi %mul3A_68, %add3A_77 : i32
      %swap3A = arith.index_cast %add3A_78 : i32 to index
      %swap3A_79 = tpu.vector_load %arg15[%swap3A] {strides = array<i32>} : memref<65536xf32, #tpu.memory_space<vmem>>, vector<16xf32>,
      %swap3A_80 = vector.shape_cast %swap3A_79 : vector<16xf32> to vector<16xf32>
      %swap3A_81 = vector.shape_cast %div3A_76 : vector<16xf32> to vector<16xf32>
      tpu.vector_store %arg15[%swap3A], %swap3A_81 {add = true, strides = array<i32>} : memref<65536xf32, #tpu.memory_space<vmem>>, vector<16xf32>,
      %mul3A_82 = arith.constant 2312.37817 : f32
      %mul3A_83 = vector.broadcast %mul3A_82 : f32 to vector<16xf32>
      %mul3A_84 = arith.mulf %exp3A, %mul3A_83 : vector<16xf32>
      %add3A_85 = arith.constant 1.000000e+00 : f32
      %add3A_86 = vector.broadcast %add3A_85 : f32 to vector<16xf32>
      %add3A_87 = arith.addf %add3A_86, %mul3A_84 : vector<16xf32>
      %div3A_88 = arith.constant 1.000000e+00 : f32
      %div3A_89 = vector.broadcast %div3A_88 : f32 to vector<16xf32>
      %div3A_90 = arith.divf %div3A_89, %add3A_87 : vector<16xf32>
      %add3A_91 = arith.constant 16 : i32
      %add3A_92 = arith.addi %mul3A_68, %add3A_91 : i32
      %swap3A_93 = arith.index_cast %add3A_92 : i32 to index
      %swap3A_94 = tpu.vector_load %arg15[%swap3A_93] {strides = array<i32>} : memref<65536xf32, #tpu.memory_space<vmem>>, vector<16xf32>,
      %swap3A_95 = vector.shape_cast %swap3A_94 : vector<16xf32> to vector<16xf32>
      %swap3A_96 = vector.shape_cast %div3A_90 : vector<16xf32> to vector<16xf32>
      tpu.vector_store %arg15[%swap3A_93], %swap3A_96 {add = true, strides = array<i32>} : memref<65536xf32, #tpu.memory_space<vmem>>, vector<16xf32>,
      %mul3A_97 = arith.constant 1793.74963 : f32
      %mul3A_98 = vector.broadcast %mul3A_97 : f32 to vector<16xf32>
      %mul3A_99 = arith.mulf %exp3A, %mul3A_98 : vector<16xf32>
      %add3A_100 = arith.constant 1.000000e+00 : f32
      %add3A_101 = vector.broadcast %add3A_100 : f32 to vector<16xf32>
      %add3A_102 = arith.addf %add3A_101, %mul3A_99 : vector<16xf32>
      %div3A_103 = arith.constant 1.000000e+00 : f32
      %div3A_104 = vector.broadcast %div3A_103 : f32 to vector<16xf32>
      %div3A_105 = arith.divf %div3A_104, %add3A_102 : vector<16xf32>
      %add3A_106 = arith.constant 32 : i32
      %add3A_107 = arith.addi %mul3A_68, %add3A_106 : i32
      %swap3A_108 = arith.index_cast %add3A_107 : i32 to index
      %swap3A_109 = tpu.vector_load %arg15[%swap3A_108] {strides = array<i32>} : memref<65536xf32, #tpu.memory_space<vmem>>, vector<16xf32>,
      %swap3A_110 = vector.shape_cast %swap3A_109 : vector<16xf32> to vector<16xf32>
      %swap3A_111 = vector.shape_cast %div3A_105 : vector<16xf32> to vector<16xf32>
      tpu.vector_store %arg15[%swap3A_108], %swap3A_111 {add = true, strides = array<i32>} : memref<65536xf32, #tpu.memory_space<vmem>>, vector<16xf32>,
      %mul3A_112 = arith.constant 1391.44104 : f32
      %mul3A_113 = vector.broadcast %mul3A_112 : f32 to vector<16xf32>
      %mul3A_114 = arith.mulf %exp3A, %mul3A_113 : vector<16xf32>
      %add3A_115 = arith.constant 1.000000e+00 : f32
      %add3A_116 = vector.broadcast %add3A_115 : f32 to vector<16xf32>
      %add3A_117 = arith.addf %add3A_116, %mul3A_114 : vector<16xf32>
      %div3A_118 = arith.constant 1.000000e+00 : f32
      %div3A_119 = vector.broadcast %div3A_118 : f32 to vector<16xf32>
      %div3A_120 = arith.divf %div3A_119, %add3A_117 : vector<16xf32>
      %add3A_121 = arith.constant 48 : i32
      %add3A_122 = arith.addi %mul3A_68, %add3A_121 : i32
      %swap3A_123 = arith.index_cast %add3A_122 : i32 to index
      %swap3A_124 = tpu.vector_load %arg15[%swap3A_123] {strides = array<i32>} : memref<65536xf32, #tpu.memory_space<vmem>>, vector<16xf32>,
      %swap3A_125 = vector.shape_cast %swap3A_124 : vector<16xf32> to vector<16xf32>
      %swap3A_126 = vector.shape_cast %div3A_120 : vector<16xf32> to vector<16xf32>
      tpu.vector_store %arg15[%swap3A_123], %swap3A_126 {add = true, strides = array<i32>} : memref<65536xf32, #tpu.memory_space<vmem>>, vector<16xf32>,
      %mul3A_127 = arith.constant 1079.36365 : f32
      %mul3A_128 = vector.broadcast %mul3A_127 : f32 to vector<16xf32>
      %mul3A_129 = arith.mulf %exp3A, %mul3A_128 : vector<16xf32>
      %add3A_130 = arith.constant 1.000000e+00 : f32
      %add3A_131 = vector.broadcast %add3A_130 : f32 to vector<16xf32>
      %add3A_132 = arith.addf %add3A_131, %mul3A_129 : vector<16xf32>
      %div3A_133 = arith.constant 1.000000e+00 : f32
      %div3A_134 = vector.broadcast %div3A_133 : f32 to vector<16xf32>
      %div3A_135 = arith.divf %div3A_134, %add3A_132 : vector<16xf32>
      %add3A_136 = arith.constant 64 : i32
      %add3A_137 = arith.addi %mul3A_68, %add3A_136 : i32
      %swap3A_138 = arith.index_cast %add3A_137 : i32 to index
      %swap3A_139 = tpu.vector_load %arg15[%swap3A_138] {strides = array<i32>} : memref<65536xf32, #tpu.memory_space<vmem>>, vector<16xf32>,
      %swap3A_140 = vector.shape_cast %swap3A_139 : vector<16xf32> to vector<16xf32>
      %swap3A_141 = vector.shape_cast %div3A_135 : vector<16xf32> to vector<16xf32>
      tpu.vector_store %arg15[%swap3A_138], %swap3A_141 {add = true, strides = array<i32>} : memref<65536xf32, #tpu.memory_space<vmem>>, vector<16xf32>,
      %mul3A_142 = arith.constant 837.280151 : f32
      %mul3A_143 = vector.broadcast %mul3A_142 : f32 to vector<16xf32>
      %mul3A_144 = arith.mulf %exp3A, %mul3A_143 : vector<16xf32>
      %add3A_145 = arith.constant 1.000000e+00 : f32
      %add3A_146 = vector.broadcast %add3A_145 : f32 to vector<16xf32>
      %add3A_147 = arith.addf %add3A_146, %mul3A_144 : vector<16xf32>
      %div3A_148 = arith.constant 1.000000e+00 : f32
      %div3A_149 = vector.broadcast %div3A_148 : f32 to vector<16xf32>
      %div3A_150 = arith.divf %div3A_149, %add3A_147 : vector<16xf32>
      %add3A_151 = arith.constant 80 : i32
      %add3A_152 = arith.addi %mul3A_68, %add3A_151 : i32
      %swap3A_153 = arith.index_cast %add3A_152 : i32 to index
      %swap3A_154 = tpu.vector_load %arg15[%swap3A_153] {strides = array<i32>} : memref<65536xf32, #tpu.memory_space<vmem>>, vector<16xf32>,
      %swap3A_155 = vector.shape_cast %swap3A_154 : vector<16xf32> to vector<16xf32>
      %swap3A_156 = vector.shape_cast %div3A_150 : vector<16xf32> to vector<16xf32>
      tpu.vector_store %arg15[%swap3A_153], %swap3A_156 {add = true, strides = array<i32>} : memref<65536xf32, #tpu.memory_space<vmem>>, vector<16xf32>,
      %mul3A_157 = arith.constant 649.491943 : f32
      %mul3A_158 = vector.broadcast %mul3A_157 : f32 to vector<16xf32>
      %mul3A_159 = arith.mulf %exp3A, %mul3A_158 : vector<16xf32>
      %add3A_160 = arith.constant 1.000000e+00 : f32
      %add3A_161 = vector.broadcast %add3A_160 : f32 to vector<16xf32>
      %add3A_162 = arith.addf %add3A_161, %mul3A_159 : vector<16xf32>
      %div3A_163 = arith.constant 1.000000e+00 : f32
      %div3A_164 = vector.broadcast %div3A_163 : f32 to vector<16xf32>
      %div3A_165 = arith.divf %div3A_164, %add3A_162 : vector<16xf32>
      %add3A_166 = arith.constant 96 : i32
      %add3A_167 = arith.addi %mul3A_68, %add3A_166 : i32
      %swap3A_168 = arith.index_cast %add3A_167 : i32 to index
      %swap3A_169 = tpu.vector_load %arg15[%swap3A_168] {strides = array<i32>} : memref<65536xf32, #tpu.memory_space<vmem>>, vector<16xf32>,
      %swap3A_170 = vector.shape_cast %swap3A_169 : vector<16xf32> to vector<16xf32>
      %swap3A_171 = vector.shape_cast %div3A_165 : vector<16xf32> to vector<16xf32>
      tpu.vector_store %arg15[%swap3A_168], %swap3A_171 {add = true, strides = array<i32>} : memref<65536xf32, #tpu.memory_space<vmem>>, vector<16xf32>,
      %mul3A_172 = arith.constant 503.821594 : f32
      %mul3A_173 = vector.broadcast %mul3A_172 : f32 to vector<16xf32>
      %mul3A_174 = arith.mulf %exp3A, %mul3A_173 : vector<16xf32>
      %add3A_175 = arith.constant 1.000000e+00 : f32
      %add3A_176 = vector.broadcast %add3A_175 : f32 to vector<16xf32>
      %add3A_177 = arith.addf %add3A_176, %mul3A_174 : vector<16xf32>
      %div3A_178 = arith.constant 1.000000e+00 : f32
      %div3A_179 = vector.broadcast %div3A_178 : f32 to vector<16xf32>
      %div3A_180 = arith.divf %div3A_179, %add3A_177 : vector<16xf32>
      %add3A_181 = arith.constant 112 : i32
      %add3A_182 = arith.addi %mul3A_68, %add3A_181 : i32
      %swap3A_183 = arith.index_cast %add3A_182 : i32 to index
      %swap3A_184 = tpu.vector_load %arg15[%swap3A_183] {strides = array<i32>} : memref<65536xf32, #tpu.memory_space<vmem>>, vector<16xf32>,
      %swap3A_185 = vector.shape_cast %swap3A_184 : vector<16xf32> to vector<16xf32>
      %swap3A_186 = vector.shape_cast %div3A_180 : vector<16xf32> to vector<16xf32>
      tpu.vector_store %arg15[%swap3A_183], %swap3A_186 {add = true, strides = array<i32>} : memref<65536xf32, #tpu.memory_space<vmem>>, vector<16xf32>,
      %mul3A_187 = arith.constant 390.822693 : f32
      %mul3A_188 = vector.broadcast %mul3A_187 : f32 to vector<16xf32>
      %mul3A_189 = arith.mulf %exp3A, %mul3A_188 : vector<16xf32>
      %add3A_190 = arith.constant 1.000000e+00 : f32
      %add3A_191 = vector.broadcast %add3A_190 : f32 to vector<16xf32>
      %add3A_192 = arith.addf %add3A_191, %mul3A_189 : vector<16xf32>
      %div3A_193 = arith.constant 1.000000e+00 : f32
      %div3A_194 = vector.broadcast %div3A_193 : f32 to vector<16xf32>
      %div3A_195 = arith.divf %div3A_194, %add3A_192 : vector<16xf32>
      %add3A_196 = arith.constant 128 : i32
      %add3A_197 = arith.addi %mul3A_68, %add3A_196 : i32
      %swap3A_198 = arith.index_cast %add3A_197 : i32 to index
      %swap3A_199 = tpu.vector_load %arg15[%swap3A_198] {strides = array<i32>} : memref<65536xf32, #tpu.memory_space<vmem>>, vector<16xf32>,
      %swap3A_200 = vector.shape_cast %swap3A_199 : vector<16xf32> to vector<16xf32>
      %swap3A_201 = vector.shape_cast %div3A_195 : vector<16xf32> to vector<16xf32>
      tpu.vector_store %arg15[%swap3A_198], %swap3A_201 {add = true, strides = array<i32>} : memref<65536xf32, #tpu.memory_space<vmem>>, vector<16xf32>,
      %mul3A_202 = arith.constant 303.167572 : f32
      %mul3A_203 = vector.broadcast %mul3A_202 : f32 to vector<16xf32>
      %mul3A_204 = arith.mulf %exp3A, %mul3A_203 : vector<16xf32>
      %add3A_205 = arith.constant 1.000000e+00 : f32
      %add3A_206 = vector.broadcast %add3A_205 : f32 to vector<16xf32>
      %add3A_207 = arith.addf %add3A_206, %mul3A_204 : vector<16xf32>
      %div3A_208 = arith.constant 1.000000e+00 : f32
      %div3A_209 = vector.broadcast %div3A_208 : f32 to vector<16xf32>
      %div3A_210 = arith.divf %div3A_209, %add3A_207 : vector<16xf32>
      %add3A_211 = arith.constant 144 : i32
      %add3A_212 = arith.addi %mul3A_68, %add3A_211 : i32
      %swap3A_213 = arith.index_cast %add3A_212 : i32 to index
      %swap3A_214 = tpu.vector_load %arg15[%swap3A_213] {strides = array<i32>} : memref<65536xf32, #tpu.memory_space<vmem>>, vector<16xf32>,
      %swap3A_215 = vector.shape_cast %swap3A_214 : vector<16xf32> to vector<16xf32>
      %swap3A_216 = vector.shape_cast %div3A_210 : vector<16xf32> to vector<16xf32>
      tpu.vector_store %arg15[%swap3A_213], %swap3A_216 {add = true, strides = array<i32>} : memref<65536xf32, #tpu.memory_space<vmem>>, vector<16xf32>,
      %mul3A_217 = arith.constant 235.172073 : f32
      %mul3A_218 = vector.broadcast %mul3A_217 : f32 to vector<16xf32>
      %mul3A_219 = arith.mulf %exp3A, %mul3A_218 : vector<16xf32>
      %add3A_220 = arith.constant 1.000000e+00 : f32
      %add3A_221 = vector.broadcast %add3A_220 : f32 to vector<16xf32>
      %add3A_222 = arith.addf %add3A_221, %mul3A_219 : vector<16xf32>
      %div3A_223 = arith.constant 1.000000e+00 : f32
      %div3A_224 = vector.broadcast %div3A_223 : f32 to vector<16xf32>
      %div3A_225 = arith.divf %div3A_224, %add3A_222 : vector<16xf32>
      %add3A_226 = arith.constant 160 : i32
      %add3A_227 = arith.addi %mul3A_68, %add3A_226 : i32
      %swap3A_228 = arith.index_cast %add3A_227 : i32 to index
      %swap3A_229 = tpu.vector_load %arg15[%swap3A_228] {strides = array<i32>} : memref<65536xf32, #tpu.memory_space<vmem>>, vector<16xf32>,
      %swap3A_230 = vector.shape_cast %swap3A_229 : vector<16xf32> to vector<16xf32>
      %swap3A_231 = vector.shape_cast %div3A_225 : vector<16xf32> to vector<16xf32>
      tpu.vector_store %arg15[%swap3A_228], %swap3A_231 {add = true, strides = array<i32>} : memref<65536xf32, #tpu.memory_space<vmem>>, vector<16xf32>,
      %mul3A_232 = arith.constant 182.426834 : f32
      %mul3A_233 = vector.broadcast %mul3A_232 : f32 to vector<16xf32>
      %mul3A_234 = arith.mulf %exp3A, %mul3A_233 : vector<16xf32>
      %add3A_235 = arith.constant 1.000000e+00 : f32
      %add3A_236 = vector.broadcast %add3A_235 : f32 to vector<16xf32>
      %add3A_237 = arith.addf %add3A_236, %mul3A_234 : vector<16xf32>
      %div3A_238 = arith.constant 1.000000e+00 : f32
      %div3A_239 = vector.broadcast %div3A_238 : f32 to vector<16xf32>
      %div3A_240 = arith.divf %div3A_239, %add3A_237 : vector<16xf32>
      %add3A_241 = arith.constant 176 : i32
      %add3A_242 = arith.addi %mul3A_68, %add3A_241 : i32
      %swap3A_243 = arith.index_cast %add3A_242 : i32 to index
      %swap3A_244 = tpu.vector_load %arg15[%swap3A_243] {strides = array<i32>} : memref<65536xf32, #tpu.memory_space<vmem>>, vector<16xf32>,
      %swap3A_245 = vector.shape_cast %swap3A_244 : vector<16xf32> to vector<16xf32>
      %swap3A_246 = vector.shape_cast %div3A_240 : vector<16xf32> to vector<16xf32>
      tpu.vector_store %arg15[%swap3A_243], %swap3A_246 {add = true, strides = array<i32>} : memref<65536xf32, #tpu.memory_space<vmem>>, vector<16xf32>,
      %mul3A_247 = arith.constant 141.51149 : f32
      %mul3A_248 = vector.broadcast %mul3A_247 : f32 to vector<16xf32>
      %mul3A_249 = arith.mulf %exp3A, %mul3A_248 : vector<16xf32>
      %add3A_250 = arith.constant 1.000000e+00 : f32
      %add3A_251 = vector.broadcast %add3A_250 : f32 to vector<16xf32>
      %add3A_252 = arith.addf %add3A_251, %mul3A_249 : vector<16xf32>
      %div3A_253 = arith.constant 1.000000e+00 : f32
      %div3A_254 = vector.broadcast %div3A_253 : f32 to vector<16xf32>
      %div3A_255 = arith.divf %div3A_254, %add3A_252 : vector<16xf32>
      %add3A_256 = arith.constant 192 : i32
      %add3A_257 = arith.addi %mul3A_68, %add3A_256 : i32
      %swap3A_258 = arith.index_cast %add3A_257 : i32 to index
      %swap3A_259 = tpu.vector_load %arg15[%swap3A_258] {strides = array<i32>} : memref<65536xf32, #tpu.memory_space<vmem>>, vector<16xf32>,
      %swap3A_260 = vector.shape_cast %swap3A_259 : vector<16xf32> to vector<16xf32>
      %swap3A_261 = vector.shape_cast %div3A_255 : vector<16xf32> to vector<16xf32>
      tpu.vector_store %arg15[%swap3A_258], %swap3A_261 {add = true, strides = array<i32>} : memref<65536xf32, #tpu.memory_space<vmem>>, vector<16xf32>,
      %mul3A_262 = arith.constant 109.772789 : f32
      %mul3A_263 = vector.broadcast %mul3A_262 : f32 to vector<16xf32>
      %mul3A_264 = arith.mulf %exp3A, %mul3A_263 : vector<16xf32>
      %add3A_265 = arith.constant 1.000000e+00 : f32
      %add3A_266 = vector.broadcast %add3A_265 : f32 to vector<16xf32>
      %add3A_267 = arith.addf %add3A_266, %mul3A_264 : vector<16xf32>
      %div3A_268 = arith.constant 1.000000e+00 : f32
      %div3A_269 = vector.broadcast %div3A_268 : f32 to vector<16xf32>
      %div3A_270 = arith.divf %div3A_269, %add3A_267 : vector<16xf32>
      %add3A_271 = arith.constant 208 : i32
      %add3A_272 = arith.addi %mul3A_68, %add3A_271 : i32
      %swap3A_273 = arith.index_cast %add3A_272 : i32 to index
      %swap3A_274 = tpu.vector_load %arg15[%swap3A_273] {strides = array<i32>} : memref<65536xf32, #tpu.memory_space<vmem>>, vector<16xf32>,
      %swap3A_275 = vector.shape_cast %swap3A_274 : vector<16xf32> to vector<16xf32>
      %swap3A_276 = vector.shape_cast %div3A_270 : vector<16xf32> to vector<16xf32>
      tpu.vector_store %arg15[%swap3A_273], %swap3A_276 {add = true, strides = array<i32>} : memref<65536xf32, #tpu.memory_space<vmem>>, vector<16xf32>,
      %mul3A_277 = arith.constant 85.1525573 : f32
      %mul3A_278 = vector.broadcast %mul3A_277 : f32 to vector<16xf32>
      %mul3A_279 = arith.mulf %exp3A, %mul3A_278 : vector<16xf32>
      %add3A_280 = arith.constant 1.000000e+00 : f32
      %add3A_281 = vector.broadcast %add3A_280 : f32 to vector<16xf32>
      %add3A_282 = arith.addf %add3A_281, %mul3A_279 : vector<16xf32>
      %div3A_283 = arith.constant 1.000000e+00 : f32
      %div3A_284 = vector.broadcast %div3A_283 : f32 to vector<16xf32>
      %div3A_285 = arith.divf %div3A_284, %add3A_282 : vector<16xf32>
      %add3A_286 = arith.constant 224 : i32
      %add3A_287 = arith.addi %mul3A_68, %add3A_286 : i32
      %swap3A_288 = arith.index_cast %add3A_287 : i32 to index
      %swap3A_289 = tpu.vector_load %arg15[%swap3A_288] {strides = array<i32>} : memref<65536xf32, #tpu.memory_space<vmem>>, vector<16xf32>,
      %swap3A_290 = vector.shape_cast %swap3A_289 : vector<16xf32> to vector<16xf32>
      %swap3A_291 = vector.shape_cast %div3A_285 : vector<16xf32> to vector<16xf32>
      tpu.vector_store %arg15[%swap3A_288], %swap3A_291 {add = true, strides = array<i32>} : memref<65536xf32, #tpu.memory_space<vmem>>, vector<16xf32>,
      %mul3A_292 = arith.constant 66.0542374 : f32
      %mul3A_293 = vector.broadcast %mul3A_292 : f32 to vector<16xf32>
      %mul3A_294 = arith.mulf %exp3A, %mul3A_293 : vector<16xf32>
      %add3A_295 = arith.constant 1.000000e+00 : f32
      %add3A_296 = vector.broadcast %add3A_295 : f32 to vector<16xf32>
      %add3A_297 = arith.addf %add3A_296, %mul3A_294 : vector<16xf32>
      %div3A_298 = arith.constant 1.000000e+00 : f32
      %div3A_299 = vector.broadcast %div3A_298 : f32 to vector<16xf32>
      %div3A_300 = arith.divf %div3A_299, %add3A_297 : vector<16xf32>
      %add3A_301 = arith.constant 240 : i32
      %add3A_302 = arith.addi %mul3A_68, %add3A_301 : i32
      %swap3A_303 = arith.index_cast %add3A_302 : i32 to index
      %swap3A_304 = tpu.vector_load %arg15[%swap3A_303] {strides = array<i32>} : memref<65536xf32, #tpu.memory_space<vmem>>, vector<16xf32>,
      %swap3A_305 = vector.shape_cast %swap3A_304 : vector<16xf32> to vector<16xf32>
      %swap3A_306 = vector.shape_cast %div3A_300 : vector<16xf32> to vector<16xf32>
      tpu.vector_store %arg15[%swap3A_303], %swap3A_306 {add = true, strides = array<i32>} : memref<65536xf32, #tpu.memory_space<vmem>>, vector<16xf32>,
      %mul3A_307 = arith.constant 51.239357 : f32
      %mul3A_308 = vector.broadcast %mul3A_307 : f32 to vector<16xf32>
      %mul3A_309 = arith.mulf %exp3A, %mul3A_308 : vector<16xf32>
      %add3A_310 = arith.constant 1.000000e+00 : f32
      %add3A_311 = vector.broadcast %add3A_310 : f32 to vector<16xf32>
      %add3A_312 = arith.addf %add3A_311, %mul3A_309 : vector<16xf32>
      %div3A_313 = arith.constant 1.000000e+00 : f32
      %div3A_314 = vector.broadcast %div3A_313 : f32 to vector<16xf32>
      %div3A_315 = arith.divf %div3A_314, %add3A_312 : vector<16xf32>
      %add3A_316 = arith.constant 256 : i32
      %add3A_317 = arith.addi %mul3A_68, %add3A_316 : i32
      %swap3A_318 = arith.index_cast %add3A_317 : i32 to index
      %swap3A_319 = tpu.vector_load %arg15[%swap3A_318] {strides = array<i32>} : memref<65536xf32, #tpu.memory_space<vmem>>, vector<16xf32>,
      %swap3A_320 = vector.shape_cast %swap3A_319 : vector<16xf32> to vector<16xf32>
      %swap3A_321 = vector.shape_cast %div3A_315 : vector<16xf32> to vector<16xf32>
      tpu.vector_store %arg15[%swap3A_318], %swap3A_321 {add = true, strides = array<i32>} : memref<65536xf32, #tpu.memory_space<vmem>>, vector<16xf32>,
      %mul3A_322 = arith.constant 39.7472115 : f32
      %mul3A_323 = vector.broadcast %mul3A_322 : f32 to vector<16xf32>
      %mul3A_324 = arith.mulf %exp3A, %mul3A_323 : vector<16xf32>
      %add3A_325 = arith.constant 1.000000e+00 : f32
      %add3A_326 = vector.broadcast %add3A_325 : f32 to vector<16xf32>
      %add3A_327 = arith.addf %add3A_326, %mul3A_324 : vector<16xf32>
      %div3A_328 = arith.constant 1.000000e+00 : f32
      %div3A_329 = vector.broadcast %div3A_328 : f32 to vector<16xf32>
      %div3A_330 = arith.divf %div3A_329, %add3A_327 : vector<16xf32>
      %add3A_331 = arith.constant 272 : i32
      %add3A_332 = arith.addi %mul3A_68, %add3A_331 : i32
      %swap3A_333 = arith.index_cast %add3A_332 : i32 to index
      %swap3A_334 = tpu.vector_load %arg15[%swap3A_333] {strides = array<i32>} : memref<65536xf32, #tpu.memory_space<vmem>>, vector<16xf32>,
      %swap3A_335 = vector.shape_cast %swap3A_334 : vector<16xf32> to vector<16xf32>
      %swap3A_336 = vector.shape_cast %div3A_330 : vector<16xf32> to vector<16xf32>
      tpu.vector_store %arg15[%swap3A_333], %swap3A_336 {add = true, strides = array<i32>} : memref<65536xf32, #tpu.memory_space<vmem>>, vector<16xf32>,
      %mul3A_337 = arith.constant 30.8325653 : f32
      %mul3A_338 = vector.broadcast %mul3A_337 : f32 to vector<16xf32>
      %mul3A_339 = arith.mulf %exp3A, %mul3A_338 : vector<16xf32>
      %add3A_340 = arith.constant 1.000000e+00 : f32
      %add3A_341 = vector.broadcast %add3A_340 : f32 to vector<16xf32>
      %add3A_342 = arith.addf %add3A_341, %mul3A_339 : vector<16xf32>
      %div3A_343 = arith.constant 1.000000e+00 : f32
      %div3A_344 = vector.broadcast %div3A_343 : f32 to vector<16xf32>
      %div3A_345 = arith.divf %div3A_344, %add3A_342 : vector<16xf32>
      %add3A_346 = arith.constant 288 : i32
      %add3A_347 = arith.addi %mul3A_68, %add3A_346 : i32
      %swap3A_348 = arith.index_cast %add3A_347 : i32 to index
      %swap3A_349 = tpu.vector_load %arg15[%swap3A_348] {strides = array<i32>} : memref<65536xf32, #tpu.memory_space<vmem>>, vector<16xf32>,
      %swap3A_350 = vector.shape_cast %swap3A_349 : vector<16xf32> to vector<16xf32>
      %swap3A_351 = vector.shape_cast %div3A_345 : vector<16xf32> to vector<16xf32>
      tpu.vector_store %arg15[%swap3A_348], %swap3A_351 {add = true, strides = array<i32>} : memref<65536xf32, #tpu.memory_space<vmem>>, vector<16xf32>,
      %mul3A_352 = arith.constant 23.9173279 : f32
      %mul3A_353 = vector.broadcast %mul3A_352 : f32 to vector<16xf32>
      %mul3A_354 = arith.mulf %exp3A, %mul3A_353 : vector<16xf32>
      %add3A_355 = arith.constant 1.000000e+00 : f32
      %add3A_356 = vector.broadcast %add3A_355 : f32 to vector<16xf32>
      %add3A_357 = arith.addf %add3A_356, %mul3A_354 : vector<16xf32>
      %div3A_358 = arith.constant 1.000000e+00 : f32
      %div3A_359 = vector.broadcast %div3A_358 : f32 to vector<16xf32>
      %div3A_360 = arith.divf %div3A_359, %add3A_357 : vector<16xf32>
      %add3A_361 = arith.constant 304 : i32
      %add3A_362 = arith.addi %mul3A_68, %add3A_361 : i32
      %swap3A_363 = arith.index_cast %add3A_362 : i32 to index
      %swap3A_364 = tpu.vector_load %arg15[%swap3A_363] {strides = array<i32>} : memref<65536xf32, #tpu.memory_space<vmem>>, vector<16xf32>,
      %swap3A_365 = vector.shape_cast %swap3A_364 : vector<16xf32> to vector<16xf32>
      %swap3A_366 = vector.shape_cast %div3A_360 : vector<16xf32> to vector<16xf32>
      tpu.vector_store %arg15[%swap3A_363], %swap3A_366 {add = true, strides = array<i32>} : memref<65536xf32, #tpu.memory_space<vmem>>, vector<16xf32>,
      %mul3A_367 = arith.constant 18.5530643 : f32
      %mul3A_368 = vector.broadcast %mul3A_367 : f32 to vector<16xf32>
      %mul3A_369 = arith.mulf %exp3A, %mul3A_368 : vector<16xf32>
      %add3A_370 = arith.constant 1.000000e+00 : f32
      %add3A_371 = vector.broadcast %add3A_370 : f32 to vector<16xf32>
      %add3A_372 = arith.addf %add3A_371, %mul3A_369 : vector<16xf32>
      %div3A_373 = arith.constant 1.000000e+00 : f32
      %div3A_374 = vector.broadcast %div3A_373 : f32 to vector<16xf32>
      %div3A_375 = arith.divf %div3A_374, %add3A_372 : vector<16xf32>
      %add3A_376 = arith.constant 320 : i32
      %add3A_377 = arith.addi %mul3A_68, %add3A_376 : i32
      %swap3A_378 = arith.index_cast %add3A_377 : i32 to index
      %swap3A_379 = tpu.vector_load %arg15[%swap3A_378] {strides = array<i32>} : memref<65536xf32, #tpu.memory_space<vmem>>, vector<16xf32>,
      %swap3A_380 = vector.shape_cast %swap3A_379 : vector<16xf32> to vector<16xf32>
      %swap3A_381 = vector.shape_cast %div3A_375 : vector<16xf32> to vector<16xf32>
      tpu.vector_store %arg15[%swap3A_378], %swap3A_381 {add = true, strides = array<i32>} : memref<65536xf32, #tpu.memory_space<vmem>>, vector<16xf32>,
      %mul3A_382 = arith.constant 14.3919163 : f32
      %mul3A_383 = vector.broadcast %mul3A_382 : f32 to vector<16xf32>
      %mul3A_384 = arith.mulf %exp3A, %mul3A_383 : vector<16xf32>
      %add3A_385 = arith.constant 1.000000e+00 : f32
      %add3A_386 = vector.broadcast %add3A_385 : f32 to vector<16xf32>
      %add3A_387 = arith.addf %add3A_386, %mul3A_384 : vector<16xf32>
      %div3A_388 = arith.constant 1.000000e+00 : f32
      %div3A_389 = vector.broadcast %div3A_388 : f32 to vector<16xf32>
      %div3A_390 = arith.divf %div3A_389, %add3A_387 : vector<16xf32>
      %add3A_391 = arith.constant 336 : i32
      %add3A_392 = arith.addi %mul3A_68, %add3A_391 : i32
      %swap3A_393 = arith.index_cast %add3A_392 : i32 to index
      %swap3A_394 = tpu.vector_load %arg15[%swap3A_393] {strides = array<i32>} : memref<65536xf32, #tpu.memory_space<vmem>>, vector<16xf32>,
      %swap3A_395 = vector.shape_cast %swap3A_394 : vector<16xf32> to vector<16xf32>
      %swap3A_396 = vector.shape_cast %div3A_390 : vector<16xf32> to vector<16xf32>
      tpu.vector_store %arg15[%swap3A_393], %swap3A_396 {add = true, strides = array<i32>} : memref<65536xf32, #tpu.memory_space<vmem>>, vector<16xf32>,
      %mul3A_397 = arith.constant 11.1640453 : f32
      %mul3A_398 = vector.broadcast %mul3A_397 : f32 to vector<16xf32>
      %mul3A_399 = arith.mulf %exp3A, %mul3A_398 : vector<16xf32>
      %add3A_400 = arith.constant 1.000000e+00 : f32
      %add3A_401 = vector.broadcast %add3A_400 : f32 to vector<16xf32>
      %add3A_402 = arith.addf %add3A_401, %mul3A_399 : vector<16xf32>
      %div3A_403 = arith.constant 1.000000e+00 : f32
      %div3A_404 = vector.broadcast %div3A_403 : f32 to vector<16xf32>
      %div3A_405 = arith.divf %div3A_404, %add3A_402 : vector<16xf32>
      %add3A_406 = arith.constant 352 : i32
      %add3A_407 = arith.addi %mul3A_68, %add3A_406 : i32
      %swap3A_408 = arith.index_cast %add3A_407 : i32 to index
      %swap3A_409 = tpu.vector_load %arg15[%swap3A_408] {strides = array<i32>} : memref<65536xf32, #tpu.memory_space<vmem>>, vector<16xf32>,
      %swap3A_410 = vector.shape_cast %swap3A_409 : vector<16xf32> to vector<16xf32>
      %swap3A_411 = vector.shape_cast %div3A_405 : vector<16xf32> to vector<16xf32>
      tpu.vector_store %arg15[%swap3A_408], %swap3A_411 {add = true, strides = array<i32>} : memref<65536xf32, #tpu.memory_space<vmem>>, vector<16xf32>,
      %mul3A_412 = arith.constant 8.66013336 : f32
      %mul3A_413 = vector.broadcast %mul3A_412 : f32 to vector<16xf32>
      %mul3A_414 = arith.mulf %exp3A, %mul3A_413 : vector<16xf32>
      %add3A_415 = arith.constant 1.000000e+00 : f32
      %add3A_416 = vector.broadcast %add3A_415 : f32 to vector<16xf32>
      %add3A_417 = arith.addf %add3A_416, %mul3A_414 : vector<16xf32>
      %div3A_418 = arith.constant 1.000000e+00 : f32
      %div3A_419 = vector.broadcast %div3A_418 : f32 to vector<16xf32>
      %div3A_420 = arith.divf %div3A_419, %add3A_417 : vector<16xf32>
      %add3A_421 = arith.constant 368 : i32
      %add3A_422 = arith.addi %mul3A_68, %add3A_421 : i32
      %swap3A_423 = arith.index_cast %add3A_422 : i32 to index
      %swap3A_424 = tpu.vector_load %arg15[%swap3A_423] {strides = array<i32>} : memref<65536xf32, #tpu.memory_space<vmem>>, vector<16xf32>,
      %swap3A_425 = vector.shape_cast %swap3A_424 : vector<16xf32> to vector<16xf32>
      %swap3A_426 = vector.shape_cast %div3A_420 : vector<16xf32> to vector<16xf32>
      tpu.vector_store %arg15[%swap3A_423], %swap3A_426 {add = true, strides = array<i32>} : memref<65536xf32, #tpu.memory_space<vmem>>, vector<16xf32>,
      %mul3A_427 = arith.constant 6.71780777 : f32
      %mul3A_428 = vector.broadcast %mul3A_427 : f32 to vector<16xf32>
      %mul3A_429 = arith.mulf %exp3A, %mul3A_428 : vector<16xf32>
      %add3A_430 = arith.constant 1.000000e+00 : f32
      %add3A_431 = vector.broadcast %add3A_430 : f32 to vector<16xf32>
      %add3A_432 = arith.addf %add3A_431, %mul3A_429 : vector<16xf32>
      %div3A_433 = arith.constant 1.000000e+00 : f32
      %div3A_434 = vector.broadcast %div3A_433 : f32 to vector<16xf32>
      %div3A_435 = arith.divf %div3A_434, %add3A_432 : vector<16xf32>
      %add3A_436 = arith.constant 384 : i32
      %add3A_437 = arith.addi %mul3A_68, %add3A_436 : i32
      %swap3A_438 = arith.index_cast %add3A_437 : i32 to index
      %swap3A_439 = tpu.vector_load %arg15[%swap3A_438] {strides = array<i32>} : memref<65536xf32, #tpu.memory_space<vmem>>, vector<16xf32>,
      %swap3A_440 = vector.shape_cast %swap3A_439 : vector<16xf32> to vector<16xf32>
      %swap3A_441 = vector.shape_cast %div3A_435 : vector<16xf32> to vector<16xf32>
      tpu.vector_store %arg15[%swap3A_438], %swap3A_441 {add = true, strides = array<i32>} : memref<65536xf32, #tpu.memory_space<vmem>>, vector<16xf32>,
      %mul3A_442 = arith.constant 5.21111393 : f32
      %mul3A_443 = vector.broadcast %mul3A_442 : f32 to vector<16xf32>
      %mul3A_444 = arith.mulf %exp3A, %mul3A_443 : vector<16xf32>
      %add3A_445 = arith.constant 1.000000e+00 : f32
      %add3A_446 = vector.broadcast %add3A_445 : f32 to vector<16xf32>
      %add3A_447 = arith.addf %add3A_446, %mul3A_444 : vector<16xf32>
      %div3A_448 = arith.constant 1.000000e+00 : f32
      %div3A_449 = vector.broadcast %div3A_448 : f32 to vector<16xf32>
      %div3A_450 = arith.divf %div3A_449, %add3A_447 : vector<16xf32>
      %add3A_451 = arith.constant 400 : i32
      %add3A_452 = arith.addi %mul3A_68, %add3A_451 : i32
      %swap3A_453 = arith.index_cast %add3A_452 : i32 to index
      %swap3A_454 = tpu.vector_load %arg15[%swap3A_453] {strides = array<i32>} : memref<65536xf32, #tpu.memory_space<vmem>>, vector<16xf32>,
      %swap3A_455 = vector.shape_cast %swap3A_454 : vector<16xf32> to vector<16xf32>
      %swap3A_456 = vector.shape_cast %div3A_450 : vector<16xf32> to vector<16xf32>
      tpu.vector_store %arg15[%swap3A_453], %swap3A_456 {add = true, strides = array<i32>} : memref<65536xf32, #tpu.memory_space<vmem>>, vector<16xf32>,
      %mul3A_457 = arith.constant 4.04234695 : f32
      %mul3A_458 = vector.broadcast %mul3A_457 : f32 to vector<16xf32>
      %mul3A_459 = arith.mulf %exp3A, %mul3A_458 : vector<16xf32>
      %add3A_460 = arith.constant 1.000000e+00 : f32
      %add3A_461 = vector.broadcast %add3A_460 : f32 to vector<16xf32>
      %add3A_462 = arith.addf %add3A_461, %mul3A_459 : vector<16xf32>
      %div3A_463 = arith.constant 1.000000e+00 : f32
      %div3A_464 = vector.broadcast %div3A_463 : f32 to vector<16xf32>
      %div3A_465 = arith.divf %div3A_464, %add3A_462 : vector<16xf32>
      %add3A_466 = arith.constant 416 : i32
      %add3A_467 = arith.addi %mul3A_68, %add3A_466 : i32
      %swap3A_468 = arith.index_cast %add3A_467 : i32 to index
      %swap3A_469 = tpu.vector_load %arg15[%swap3A_468] {strides = array<i32>} : memref<65536xf32, #tpu.memory_space<vmem>>, vector<16xf32>,
      %swap3A_470 = vector.shape_cast %swap3A_469 : vector<16xf32> to vector<16xf32>
      %swap3A_471 = vector.shape_cast %div3A_465 : vector<16xf32> to vector<16xf32>
      tpu.vector_store %arg15[%swap3A_468], %swap3A_471 {add = true, strides = array<i32>} : memref<65536xf32, #tpu.memory_space<vmem>>, vector<16xf32>,
      %mul3A_472 = arith.constant 3.13571477 : f32
      %mul3A_473 = vector.broadcast %mul3A_472 : f32 to vector<16xf32>
      %mul3A_474 = arith.mulf %exp3A, %mul3A_473 : vector<16xf32>
      %add3A_475 = arith.constant 1.000000e+00 : f32
      %add3A_476 = vector.broadcast %add3A_475 : f32 to vector<16xf32>
      %add3A_477 = arith.addf %add3A_476, %mul3A_474 : vector<16xf32>
      %div3A_478 = arith.constant 1.000000e+00 : f32
      %div3A_479 = vector.broadcast %div3A_478 : f32 to vector<16xf32>
      %div3A_480 = arith.divf %div3A_479, %add3A_477 : vector<16xf32>
      %add3A_481 = arith.constant 432 : i32
      %add3A_482 = arith.addi %mul3A_68, %add3A_481 : i32
      %swap3A_483 = arith.index_cast %add3A_482 : i32 to index
      %swap3A_484 = tpu.vector_load %arg15[%swap3A_483] {strides = array<i32>} : memref<65536xf32, #tpu.memory_space<vmem>>, vector<16xf32>,
      %swap3A_485 = vector.shape_cast %swap3A_484 : vector<16xf32> to vector<16xf32>
      %swap3A_486 = vector.shape_cast %div3A_480 : vector<16xf32> to vector<16xf32>
      tpu.vector_store %arg15[%swap3A_483], %swap3A_486 {add = true, strides = array<i32>} : memref<65536xf32, #tpu.memory_space<vmem>>, vector<16xf32>,
      %mul3A_487 = arith.constant 2.4324255 : f32
      %mul3A_488 = vector.broadcast %mul3A_487 : f32 to vector<16xf32>
      %mul3A_489 = arith.mulf %exp3A, %mul3A_488 : vector<16xf32>
      %add3A_490 = arith.constant 1.000000e+00 : f32
      %add3A_491 = vector.broadcast %add3A_490 : f32 to vector<16xf32>
      %add3A_492 = arith.addf %add3A_491, %mul3A_489 : vector<16xf32>
      %div3A_493 = arith.constant 1.000000e+00 : f32
      %div3A_494 = vector.broadcast %div3A_493 : f32 to vector<16xf32>
      %div3A_495 = arith.divf %div3A_494, %add3A_492 : vector<16xf32>
      %add3A_496 = arith.constant 448 : i32
      %add3A_497 = arith.addi %mul3A_68, %add3A_496 : i32
      %swap3A_498 = arith.index_cast %add3A_497 : i32 to index
      %swap3A_499 = tpu.vector_load %arg15[%swap3A_498] {strides = array<i32>} : memref<65536xf32, #tpu.memory_space<vmem>>, vector<16xf32>,
      %swap3A_500 = vector.shape_cast %swap3A_499 : vector<16xf32> to vector<16xf32>
      %swap3A_501 = vector.shape_cast %div3A_495 : vector<16xf32> to vector<16xf32>
      tpu.vector_store %arg15[%swap3A_498], %swap3A_501 {add = true, strides = array<i32>} : memref<65536xf32, #tpu.memory_space<vmem>>, vector<16xf32>,
      %mul3A_502 = arith.constant 1.88687241 : f32
      %mul3A_503 = vector.broadcast %mul3A_502 : f32 to vector<16xf32>
      %mul3A_504 = arith.mulf %exp3A, %mul3A_503 : vector<16xf32>
      %add3A_505 = arith.constant 1.000000e+00 : f32
      %add3A_506 = vector.broadcast %add3A_505 : f32 to vector<16xf32>
      %add3A_507 = arith.addf %add3A_506, %mul3A_504 : vector<16xf32>
      %div3A_508 = arith.constant 1.000000e+00 : f32
      %div3A_509 = vector.broadcast %div3A_508 : f32 to vector<16xf32>
      %div3A_510 = arith.divf %div3A_509, %add3A_507 : vector<16xf32>
      %add3A_511 = arith.constant 464 : i32
      %add3A_512 = arith.addi %mul3A_68, %add3A_511 : i32
      %swap3A_513 = arith.index_cast %add3A_512 : i32 to index
      %swap3A_514 = tpu.vector_load %arg15[%swap3A_513] {strides = array<i32>} : memref<65536xf32, #tpu.memory_space<vmem>>, vector<16xf32>,
      %swap3A_515 = vector.shape_cast %swap3A_514 : vector<16xf32> to vector<16xf32>
      %swap3A_516 = vector.shape_cast %div3A_510 : vector<16xf32> to vector<16xf32>
      tpu.vector_store %arg15[%swap3A_513], %swap3A_516 {add = true, strides = array<i32>} : memref<65536xf32, #tpu.memory_space<vmem>>, vector<16xf32>,
      %mul3A_517 = arith.constant 1.46367788 : f32
      %mul3A_518 = vector.broadcast %mul3A_517 : f32 to vector<16xf32>
      %mul3A_519 = arith.mulf %exp3A, %mul3A_518 : vector<16xf32>
      %add3A_520 = arith.constant 1.000000e+00 : f32
      %add3A_521 = vector.broadcast %add3A_520 : f32 to vector<16xf32>
      %add3A_522 = arith.addf %add3A_521, %mul3A_519 : vector<16xf32>
      %div3A_523 = arith.constant 1.000000e+00 : f32
      %div3A_524 = vector.broadcast %div3A_523 : f32 to vector<16xf32>
      %div3A_525 = arith.divf %div3A_524, %add3A_522 : vector<16xf32>
      %add3A_526 = arith.constant 480 : i32
      %add3A_527 = arith.addi %mul3A_68, %add3A_526 : i32
      %swap3A_528 = arith.index_cast %add3A_527 : i32 to index
      %swap3A_529 = tpu.vector_load %arg15[%swap3A_528] {strides = array<i32>} : memref<65536xf32, #tpu.memory_space<vmem>>, vector<16xf32>,
      %swap3A_530 = vector.shape_cast %swap3A_529 : vector<16xf32> to vector<16xf32>
      %swap3A_531 = vector.shape_cast %div3A_525 : vector<16xf32> to vector<16xf32>
      tpu.vector_store %arg15[%swap3A_528], %swap3A_531 {add = true, strides = array<i32>} : memref<65536xf32, #tpu.memory_space<vmem>>, vector<16xf32>,
      %mul3A_532 = arith.constant 1.13539898 : f32
      %mul3A_533 = vector.broadcast %mul3A_532 : f32 to vector<16xf32>
      %mul3A_534 = arith.mulf %exp3A, %mul3A_533 : vector<16xf32>
      %add3A_535 = arith.constant 1.000000e+00 : f32
      %add3A_536 = vector.broadcast %add3A_535 : f32 to vector<16xf32>
      %add3A_537 = arith.addf %add3A_536, %mul3A_534 : vector<16xf32>
      %div3A_538 = arith.constant 1.000000e+00 : f32
      %div3A_539 = vector.broadcast %div3A_538 : f32 to vector<16xf32>
      %div3A_540 = arith.divf %div3A_539, %add3A_537 : vector<16xf32>
      %add3A_541 = arith.constant 496 : i32
      %add3A_542 = arith.addi %mul3A_68, %add3A_541 : i32
      %swap3A_543 = arith.index_cast %add3A_542 : i32 to index
      %swap3A_544 = tpu.vector_load %arg15[%swap3A_543] {strides = array<i32>} : memref<65536xf32, #tpu.memory_space<vmem>>, vector<16xf32>,
      %swap3A_545 = vector.shape_cast %swap3A_544 : vector<16xf32> to vector<16xf32>
      %swap3A_546 = vector.shape_cast %div3A_540 : vector<16xf32> to vector<16xf32>
      tpu.vector_store %arg15[%swap3A_543], %swap3A_546 {add = true, strides = array<i32>} : memref<65536xf32, #tpu.memory_space<vmem>>, vector<16xf32>,
      %mul3A_547 = arith.constant 0.880747675 : f32
      %mul3A_548 = vector.broadcast %mul3A_547 : f32 to vector<16xf32>
      %mul3A_549 = arith.mulf %exp3A, %mul3A_548 : vector<16xf32>
      %add3A_550 = arith.constant 1.000000e+00 : f32
      %add3A_551 = vector.broadcast %add3A_550 : f32 to vector<16xf32>
      %add3A_552 = arith.addf %add3A_551, %mul3A_549 : vector<16xf32>
      %div3A_553 = arith.constant 1.000000e+00 : f32
      %div3A_554 = vector.broadcast %div3A_553 : f32 to vector<16xf32>
      %div3A_555 = arith.divf %div3A_554, %add3A_552 : vector<16xf32>
      %add3A_556 = arith.constant 512 : i32
      %add3A_557 = arith.addi %mul3A_68, %add3A_556 : i32
      %swap3A_558 = arith.index_cast %add3A_557 : i32 to index
      %swap3A_559 = tpu.vector_load %arg15[%swap3A_558] {strides = array<i32>} : memref<65536xf32, #tpu.memory_space<vmem>>, vector<16xf32>,
      %swap3A_560 = vector.shape_cast %swap3A_559 : vector<16xf32> to vector<16xf32>
      %swap3A_561 = vector.shape_cast %div3A_555 : vector<16xf32> to vector<16xf32>
      tpu.vector_store %arg15[%swap3A_558], %swap3A_561 {add = true, strides = array<i32>} : memref<65536xf32, #tpu.memory_space<vmem>>, vector<16xf32>,
      %mul3A_562 = arith.constant 0.683210432 : f32
      %mul3A_563 = vector.broadcast %mul3A_562 : f32 to vector<16xf32>
      %mul3A_564 = arith.mulf %exp3A, %mul3A_563 : vector<16xf32>
      %add3A_565 = arith.constant 1.000000e+00 : f32
      %add3A_566 = vector.broadcast %add3A_565 : f32 to vector<16xf32>
      %add3A_567 = arith.addf %add3A_566, %mul3A_564 : vector<16xf32>
      %div3A_568 = arith.constant 1.000000e+00 : f32
      %div3A_569 = vector.broadcast %div3A_568 : f32 to vector<16xf32>
      %div3A_570 = arith.divf %div3A_569, %add3A_567 : vector<16xf32>
      %add3A_571 = arith.constant 528 : i32
      %add3A_572 = arith.addi %mul3A_68, %add3A_571 : i32
      %swap3A_573 = arith.index_cast %add3A_572 : i32 to index
      %swap3A_574 = tpu.vector_load %arg15[%swap3A_573] {strides = array<i32>} : memref<65536xf32, #tpu.memory_space<vmem>>, vector<16xf32>,
      %swap3A_575 = vector.shape_cast %swap3A_574 : vector<16xf32> to vector<16xf32>
      %swap3A_576 = vector.shape_cast %div3A_570 : vector<16xf32> to vector<16xf32>
      tpu.vector_store %arg15[%swap3A_573], %swap3A_576 {add = true, strides = array<i32>} : memref<65536xf32, #tpu.memory_space<vmem>>, vector<16xf32>,
      %mul3A_577 = arith.constant 0.52997756 : f32
      %mul3A_578 = vector.broadcast %mul3A_577 : f32 to vector<16xf32>
      %mul3A_579 = arith.mulf %exp3A, %mul3A_578 : vector<16xf32>
      %add3A_580 = arith.constant 1.000000e+00 : f32
      %add3A_581 = vector.broadcast %add3A_580 : f32 to vector<16xf32>
      %add3A_582 = arith.addf %add3A_581, %mul3A_579 : vector<16xf32>
      %div3A_583 = arith.constant 1.000000e+00 : f32
      %div3A_584 = vector.broadcast %div3A_583 : f32 to vector<16xf32>
      %div3A_585 = arith.divf %div3A_584, %add3A_582 : vector<16xf32>
      %add3A_586 = arith.constant 544 : i32
      %add3A_587 = arith.addi %mul3A_68, %add3A_586 : i32
      %swap3A_588 = arith.index_cast %add3A_587 : i32 to index
      %swap3A_589 = tpu.vector_load %arg15[%swap3A_588] {strides = array<i32>} : memref<65536xf32, #tpu.memory_space<vmem>>, vector<16xf32>,
      %swap3A_590 = vector.shape_cast %swap3A_589 : vector<16xf32> to vector<16xf32>
      %swap3A_591 = vector.shape_cast %div3A_585 : vector<16xf32> to vector<16xf32>
      tpu.vector_store %arg15[%swap3A_588], %swap3A_591 {add = true, strides = array<i32>} : memref<65536xf32, #tpu.memory_space<vmem>>, vector<16xf32>,
      %mul3A_592 = arith.constant 0.411112279 : f32
      %mul3A_593 = vector.broadcast %mul3A_592 : f32 to vector<16xf32>
      %mul3A_594 = arith.mulf %exp3A, %mul3A_593 : vector<16xf32>
      %add3A_595 = arith.constant 1.000000e+00 : f32
      %add3A_596 = vector.broadcast %add3A_595 : f32 to vector<16xf32>
      %add3A_597 = arith.addf %add3A_596, %mul3A_594 : vector<16xf32>
      %div3A_598 = arith.constant 1.000000e+00 : f32
      %div3A_599 = vector.broadcast %div3A_598 : f32 to vector<16xf32>
      %div3A_600 = arith.divf %div3A_599, %add3A_597 : vector<16xf32>
      %add3A_601 = arith.constant 560 : i32
      %add3A_602 = arith.addi %mul3A_68, %add3A_601 : i32
      %swap3A_603 = arith.index_cast %add3A_602 : i32 to index
      %swap3A_604 = tpu.vector_load %arg15[%swap3A_603] {strides = array<i32>} : memref<65536xf32, #tpu.memory_space<vmem>>, vector<16xf32>,
      %swap3A_605 = vector.shape_cast %swap3A_604 : vector<16xf32> to vector<16xf32>
      %swap3A_606 = vector.shape_cast %div3A_600 : vector<16xf32> to vector<16xf32>
      tpu.vector_store %arg15[%swap3A_603], %swap3A_606 {add = true, strides = array<i32>} : memref<65536xf32, #tpu.memory_space<vmem>>, vector<16xf32>,
      %mul3A_607 = arith.constant 0.318906546 : f32
      %mul3A_608 = vector.broadcast %mul3A_607 : f32 to vector<16xf32>
      %mul3A_609 = arith.mulf %exp3A, %mul3A_608 : vector<16xf32>
      %add3A_610 = arith.constant 1.000000e+00 : f32
      %add3A_611 = vector.broadcast %add3A_610 : f32 to vector<16xf32>
      %add3A_612 = arith.addf %add3A_611, %mul3A_609 : vector<16xf32>
      %div3A_613 = arith.constant 1.000000e+00 : f32
      %div3A_614 = vector.broadcast %div3A_613 : f32 to vector<16xf32>
      %div3A_615 = arith.divf %div3A_614, %add3A_612 : vector<16xf32>
      %add3A_616 = arith.constant 576 : i32
      %add3A_617 = arith.addi %mul3A_68, %add3A_616 : i32
      %swap3A_618 = arith.index_cast %add3A_617 : i32 to index
      %swap3A_619 = tpu.vector_load %arg15[%swap3A_618] {strides = array<i32>} : memref<65536xf32, #tpu.memory_space<vmem>>, vector<16xf32>,
      %swap3A_620 = vector.shape_cast %swap3A_619 : vector<16xf32> to vector<16xf32>
      %swap3A_621 = vector.shape_cast %div3A_615 : vector<16xf32> to vector<16xf32>
      tpu.vector_store %arg15[%swap3A_618], %swap3A_621 {add = true, strides = array<i32>} : memref<65536xf32, #tpu.memory_space<vmem>>, vector<16xf32>,
      %mul3A_622 = arith.constant 0.247381061 : f32
      %mul3A_623 = vector.broadcast %mul3A_622 : f32 to vector<16xf32>
      %mul3A_624 = arith.mulf %exp3A, %mul3A_623 : vector<16xf32>
      %add3A_625 = arith.constant 1.000000e+00 : f32
      %add3A_626 = vector.broadcast %add3A_625 : f32 to vector<16xf32>
      %add3A_627 = arith.addf %add3A_626, %mul3A_624 : vector<16xf32>
      %div3A_628 = arith.constant 1.000000e+00 : f32
      %div3A_629 = vector.broadcast %div3A_628 : f32 to vector<16xf32>
      %div3A_630 = arith.divf %div3A_629, %add3A_627 : vector<16xf32>
      %add3A_631 = arith.constant 592 : i32
      %add3A_632 = arith.addi %mul3A_68, %add3A_631 : i32
      %swap3A_633 = arith.index_cast %add3A_632 : i32 to index
      %swap3A_634 = tpu.vector_load %arg15[%swap3A_633] {strides = array<i32>} : memref<65536xf32, #tpu.memory_space<vmem>>, vector<16xf32>,
      %swap3A_635 = vector.shape_cast %swap3A_634 : vector<16xf32> to vector<16xf32>
      %swap3A_636 = vector.shape_cast %div3A_630 : vector<16xf32> to vector<16xf32>
      tpu.vector_store %arg15[%swap3A_633], %swap3A_636 {add = true, strides = array<i32>} : memref<65536xf32, #tpu.memory_space<vmem>>, vector<16xf32>,
      %mul3A_637 = arith.constant 0.191897541 : f32
      %mul3A_638 = vector.broadcast %mul3A_637 : f32 to vector<16xf32>
      %mul3A_639 = arith.mulf %exp3A, %mul3A_638 : vector<16xf32>
      %add3A_640 = arith.constant 1.000000e+00 : f32
      %add3A_641 = vector.broadcast %add3A_640 : f32 to vector<16xf32>
      %add3A_642 = arith.addf %add3A_641, %mul3A_639 : vector<16xf32>
      %div3A_643 = arith.constant 1.000000e+00 : f32
      %div3A_644 = vector.broadcast %div3A_643 : f32 to vector<16xf32>
      %div3A_645 = arith.divf %div3A_644, %add3A_642 : vector<16xf32>
      %add3A_646 = arith.constant 608 : i32
      %add3A_647 = arith.addi %mul3A_68, %add3A_646 : i32
      %swap3A_648 = arith.index_cast %add3A_647 : i32 to index
      %swap3A_649 = tpu.vector_load %arg15[%swap3A_648] {strides = array<i32>} : memref<65536xf32, #tpu.memory_space<vmem>>, vector<16xf32>,
      %swap3A_650 = vector.shape_cast %swap3A_649 : vector<16xf32> to vector<16xf32>
      %swap3A_651 = vector.shape_cast %div3A_645 : vector<16xf32> to vector<16xf32>
      tpu.vector_store %arg15[%swap3A_648], %swap3A_651 {add = true, strides = array<i32>} : memref<65536xf32, #tpu.memory_space<vmem>>, vector<16xf32>,
      %mul3A_652 = arith.constant 0.148858085 : f32
      %mul3A_653 = vector.broadcast %mul3A_652 : f32 to vector<16xf32>
      %mul3A_654 = arith.mulf %exp3A, %mul3A_653 : vector<16xf32>
      %add3A_655 = arith.constant 1.000000e+00 : f32
      %add3A_656 = vector.broadcast %add3A_655 : f32 to vector<16xf32>
      %add3A_657 = arith.addf %add3A_656, %mul3A_654 : vector<16xf32>
      %div3A_658 = arith.constant 1.000000e+00 : f32
      %div3A_659 = vector.broadcast %div3A_658 : f32 to vector<16xf32>
      %div3A_660 = arith.divf %div3A_659, %add3A_657 : vector<16xf32>
      %add3A_661 = arith.constant 624 : i32
      %add3A_662 = arith.addi %mul3A_68, %add3A_661 : i32
      %swap3A_663 = arith.index_cast %add3A_662 : i32 to index
      %swap3A_664 = tpu.vector_load %arg15[%swap3A_663] {strides = array<i32>} : memref<65536xf32, #tpu.memory_space<vmem>>, vector<16xf32>,
      %swap3A_665 = vector.shape_cast %swap3A_664 : vector<16xf32> to vector<16xf32>
      %swap3A_666 = vector.shape_cast %div3A_660 : vector<16xf32> to vector<16xf32>
      tpu.vector_store %arg15[%swap3A_663], %swap3A_666 {add = true, strides = array<i32>} : memref<65536xf32, #tpu.memory_space<vmem>>, vector<16xf32>,
      %mul3A_667 = arith.constant 0.115471661 : f32
      %mul3A_668 = vector.broadcast %mul3A_667 : f32 to vector<16xf32>
      %mul3A_669 = arith.mulf %exp3A, %mul3A_668 : vector<16xf32>
      %add3A_670 = arith.constant 1.000000e+00 : f32
      %add3A_671 = vector.broadcast %add3A_670 : f32 to vector<16xf32>
      %add3A_672 = arith.addf %add3A_671, %mul3A_669 : vector<16xf32>
      %div3A_673 = arith.constant 1.000000e+00 : f32
      %div3A_674 = vector.broadcast %div3A_673 : f32 to vector<16xf32>
      %div3A_675 = arith.divf %div3A_674, %add3A_672 : vector<16xf32>
      %add3A_676 = arith.constant 640 : i32
      %add3A_677 = arith.addi %mul3A_68, %add3A_676 : i32
      %swap3A_678 = arith.index_cast %add3A_677 : i32 to index
      %swap3A_679 = tpu.vector_load %arg15[%swap3A_678] {strides = array<i32>} : memref<65536xf32, #tpu.memory_space<vmem>>, vector<16xf32>,
      %swap3A_680 = vector.shape_cast %swap3A_679 : vector<16xf32> to vector<16xf32>
      %swap3A_681 = vector.shape_cast %div3A_675 : vector<16xf32> to vector<16xf32>
      tpu.vector_store %arg15[%swap3A_678], %swap3A_681 {add = true, strides = array<i32>} : memref<65536xf32, #tpu.memory_space<vmem>>, vector<16xf32>,
      %mul3A_682 = arith.constant 0.0895732641 : f32
      %mul3A_683 = vector.broadcast %mul3A_682 : f32 to vector<16xf32>
      %mul3A_684 = arith.mulf %exp3A, %mul3A_683 : vector<16xf32>
      %add3A_685 = arith.constant 1.000000e+00 : f32
      %add3A_686 = vector.broadcast %add3A_685 : f32 to vector<16xf32>
      %add3A_687 = arith.addf %add3A_686, %mul3A_684 : vector<16xf32>
      %div3A_688 = arith.constant 1.000000e+00 : f32
      %div3A_689 = vector.broadcast %div3A_688 : f32 to vector<16xf32>
      %div3A_690 = arith.divf %div3A_689, %add3A_687 : vector<16xf32>
      %add3A_691 = arith.constant 656 : i32
      %add3A_692 = arith.addi %mul3A_68, %add3A_691 : i32
      %swap3A_693 = arith.index_cast %add3A_692 : i32 to index
      %swap3A_694 = tpu.vector_load %arg15[%swap3A_693] {strides = array<i32>} : memref<65536xf32, #tpu.memory_space<vmem>>, vector<16xf32>,
      %swap3A_695 = vector.shape_cast %swap3A_694 : vector<16xf32> to vector<16xf32>
      %swap3A_696 = vector.shape_cast %div3A_690 : vector<16xf32> to vector<16xf32>
      tpu.vector_store %arg15[%swap3A_693], %swap3A_696 {add = true, strides = array<i32>} : memref<65536xf32, #tpu.memory_space<vmem>>, vector<16xf32>,
      %mul3A_697 = arith.constant 0.0694834515 : f32
      %mul3A_698 = vector.broadcast %mul3A_697 : f32 to vector<16xf32>
      %mul3A_699 = arith.mulf %exp3A, %mul3A_698 : vector<16xf32>
      %add3A_700 = arith.constant 1.000000e+00 : f32
      %add3A_701 = vector.broadcast %add3A_700 : f32 to vector<16xf32>
      %add3A_702 = arith.addf %add3A_701, %mul3A_699 : vector<16xf32>
      %div3A_703 = arith.constant 1.000000e+00 : f32
      %div3A_704 = vector.broadcast %div3A_703 : f32 to vector<16xf32>
      %div3A_705 = arith.divf %div3A_704, %add3A_702 : vector<16xf32>
      %add3A_706 = arith.constant 672 : i32
      %add3A_707 = arith.addi %mul3A_68, %add3A_706 : i32
      %swap3A_708 = arith.index_cast %add3A_707 : i32 to index
      %swap3A_709 = tpu.vector_load %arg15[%swap3A_708] {strides = array<i32>} : memref<65536xf32, #tpu.memory_space<vmem>>, vector<16xf32>,
      %swap3A_710 = vector.shape_cast %swap3A_709 : vector<16xf32> to vector<16xf32>
      %swap3A_711 = vector.shape_cast %div3A_705 : vector<16xf32> to vector<16xf32>
      tpu.vector_store %arg15[%swap3A_708], %swap3A_711 {add = true, strides = array<i32>} : memref<65536xf32, #tpu.memory_space<vmem>>, vector<16xf32>,
      %mul3A_712 = arith.constant 0.0538994558 : f32
      %mul3A_713 = vector.broadcast %mul3A_712 : f32 to vector<16xf32>
      %mul3A_714 = arith.mulf %exp3A, %mul3A_713 : vector<16xf32>
      %add3A_715 = arith.constant 1.000000e+00 : f32
      %add3A_716 = vector.broadcast %add3A_715 : f32 to vector<16xf32>
      %add3A_717 = arith.addf %add3A_716, %mul3A_714 : vector<16xf32>
      %div3A_718 = arith.constant 1.000000e+00 : f32
      %div3A_719 = vector.broadcast %div3A_718 : f32 to vector<16xf32>
      %div3A_720 = arith.divf %div3A_719, %add3A_717 : vector<16xf32>
      %add3A_721 = arith.constant 688 : i32
      %add3A_722 = arith.addi %mul3A_68, %add3A_721 : i32
      %swap3A_723 = arith.index_cast %add3A_722 : i32 to index
      %swap3A_724 = tpu.vector_load %arg15[%swap3A_723] {strides = array<i32>} : memref<65536xf32, #tpu.memory_space<vmem>>, vector<16xf32>,
      %swap3A_725 = vector.shape_cast %swap3A_724 : vector<16xf32> to vector<16xf32>
      %swap3A_726 = vector.shape_cast %div3A_720 : vector<16xf32> to vector<16xf32>
      tpu.vector_store %arg15[%swap3A_723], %swap3A_726 {add = true, strides = array<i32>} : memref<65536xf32, #tpu.memory_space<vmem>>, vector<16xf32>,
      %mul3A_727 = arith.constant 0.0418106914 : f32
      %mul3A_728 = vector.broadcast %mul3A_727 : f32 to vector<16xf32>
      %mul3A_729 = arith.mulf %exp3A, %mul3A_728 : vector<16xf32>
      %add3A_730 = arith.constant 1.000000e+00 : f32
      %add3A_731 = vector.broadcast %add3A_730 : f32 to vector<16xf32>
      %add3A_732 = arith.addf %add3A_731, %mul3A_729 : vector<16xf32>
      %div3A_733 = arith.constant 1.000000e+00 : f32
      %div3A_734 = vector.broadcast %div3A_733 : f32 to vector<16xf32>
      %div3A_735 = arith.divf %div3A_734, %add3A_732 : vector<16xf32>
      %add3A_736 = arith.constant 704 : i32
      %add3A_737 = arith.addi %mul3A_68, %add3A_736 : i32
      %swap3A_738 = arith.index_cast %add3A_737 : i32 to index
      %swap3A_739 = tpu.vector_load %arg15[%swap3A_738] {strides = array<i32>} : memref<65536xf32, #tpu.memory_space<vmem>>, vector<16xf32>,
      %swap3A_740 = vector.shape_cast %swap3A_739 : vector<16xf32> to vector<16xf32>
      %swap3A_741 = vector.shape_cast %div3A_735 : vector<16xf32> to vector<16xf32>
      tpu.vector_store %arg15[%swap3A_738], %swap3A_741 {add = true, strides = array<i32>} : memref<65536xf32, #tpu.memory_space<vmem>>, vector<16xf32>,
      %mul3A_742 = arith.constant 0.0324332416 : f32
      %mul3A_743 = vector.broadcast %mul3A_742 : f32 to vector<16xf32>
      %mul3A_744 = arith.mulf %exp3A, %mul3A_743 : vector<16xf32>
      %add3A_745 = arith.constant 1.000000e+00 : f32
      %add3A_746 = vector.broadcast %add3A_745 : f32 to vector<16xf32>
      %add3A_747 = arith.addf %add3A_746, %mul3A_744 : vector<16xf32>
      %div3A_748 = arith.constant 1.000000e+00 : f32
      %div3A_749 = vector.broadcast %div3A_748 : f32 to vector<16xf32>
      %div3A_750 = arith.divf %div3A_749, %add3A_747 : vector<16xf32>
      %add3A_751 = arith.constant 720 : i32
      %add3A_752 = arith.addi %mul3A_68, %add3A_751 : i32
      %swap3A_753 = arith.index_cast %add3A_752 : i32 to index
      %swap3A_754 = tpu.vector_load %arg15[%swap3A_753] {strides = array<i32>} : memref<65536xf32, #tpu.memory_space<vmem>>, vector<16xf32>,
      %swap3A_755 = vector.shape_cast %swap3A_754 : vector<16xf32> to vector<16xf32>
      %swap3A_756 = vector.shape_cast %div3A_750 : vector<16xf32> to vector<16xf32>
      tpu.vector_store %arg15[%swap3A_753], %swap3A_756 {add = true, strides = array<i32>} : memref<65536xf32, #tpu.memory_space<vmem>>, vector<16xf32>,
      %mul3A_757 = arith.constant 0.0251589976 : f32
      %mul3A_758 = vector.broadcast %mul3A_757 : f32 to vector<16xf32>
      %mul3A_759 = arith.mulf %exp3A, %mul3A_758 : vector<16xf32>
      %add3A_760 = arith.constant 1.000000e+00 : f32
      %add3A_761 = vector.broadcast %add3A_760 : f32 to vector<16xf32>
      %add3A_762 = arith.addf %add3A_761, %mul3A_759 : vector<16xf32>
      %div3A_763 = arith.constant 1.000000e+00 : f32
      %div3A_764 = vector.broadcast %div3A_763 : f32 to vector<16xf32>
      %div3A_765 = arith.divf %div3A_764, %add3A_762 : vector<16xf32>
      %add3A_766 = arith.constant 736 : i32
      %add3A_767 = arith.addi %mul3A_68, %add3A_766 : i32
      %swap3A_768 = arith.index_cast %add3A_767 : i32 to index
      %swap3A_769 = tpu.vector_load %arg15[%swap3A_768] {strides = array<i32>} : memref<65536xf32, #tpu.memory_space<vmem>>, vector<16xf32>,
      %swap3A_770 = vector.shape_cast %swap3A_769 : vector<16xf32> to vector<16xf32>
      %swap3A_771 = vector.shape_cast %div3A_765 : vector<16xf32> to vector<16xf32>
      tpu.vector_store %arg15[%swap3A_768], %swap3A_771 {add = true, strides = array<i32>} : memref<65536xf32, #tpu.memory_space<vmem>>, vector<16xf32>,
      %mul3A_772 = arith.constant 0.0195162483 : f32
      %mul3A_773 = vector.broadcast %mul3A_772 : f32 to vector<16xf32>
      %mul3A_774 = arith.mulf %exp3A, %mul3A_773 : vector<16xf32>
      %add3A_775 = arith.constant 1.000000e+00 : f32
      %add3A_776 = vector.broadcast %add3A_775 : f32 to vector<16xf32>
      %add3A_777 = arith.addf %add3A_776, %mul3A_774 : vector<16xf32>
      %div3A_778 = arith.constant 1.000000e+00 : f32
      %div3A_779 = vector.broadcast %div3A_778 : f32 to vector<16xf32>
      %div3A_780 = arith.divf %div3A_779, %add3A_777 : vector<16xf32>
      %add3A_781 = arith.constant 752 : i32
      %add3A_782 = arith.addi %mul3A_68, %add3A_781 : i32
      %swap3A_783 = arith.index_cast %add3A_782 : i32 to index
      %swap3A_784 = tpu.vector_load %arg15[%swap3A_783] {strides = array<i32>} : memref<65536xf32, #tpu.memory_space<vmem>>, vector<16xf32>,
      %swap3A_785 = vector.shape_cast %swap3A_784 : vector<16xf32> to vector<16xf32>
      %swap3A_786 = vector.shape_cast %div3A_780 : vector<16xf32> to vector<16xf32>
      tpu.vector_store %arg15[%swap3A_783], %swap3A_786 {add = true, strides = array<i32>} : memref<65536xf32, #tpu.memory_space<vmem>>, vector<16xf32>,
      %mul3A_787 = arith.constant 0.0151390741 : f32
      %mul3A_788 = vector.broadcast %mul3A_787 : f32 to vector<16xf32>
      %mul3A_789 = arith.mulf %exp3A, %mul3A_788 : vector<16xf32>
      %add3A_790 = arith.constant 1.000000e+00 : f32
      %add3A_791 = vector.broadcast %add3A_790 : f32 to vector<16xf32>
      %add3A_792 = arith.addf %add3A_791, %mul3A_789 : vector<16xf32>
      %div3A_793 = arith.constant 1.000000e+00 : f32
      %div3A_794 = vector.broadcast %div3A_793 : f32 to vector<16xf32>
      %div3A_795 = arith.divf %div3A_794, %add3A_792 : vector<16xf32>
      %add3A_796 = arith.constant 768 : i32
      %add3A_797 = arith.addi %mul3A_68, %add3A_796 : i32
      %swap3A_798 = arith.index_cast %add3A_797 : i32 to index
      %swap3A_799 = tpu.vector_load %arg15[%swap3A_798] {strides = array<i32>} : memref<65536xf32, #tpu.memory_space<vmem>>, vector<16xf32>,
      %swap3A_800 = vector.shape_cast %swap3A_799 : vector<16xf32> to vector<16xf32>
      %swap3A_801 = vector.shape_cast %div3A_795 : vector<16xf32> to vector<16xf32>
      tpu.vector_store %arg15[%swap3A_798], %swap3A_801 {add = true, strides = array<i32>} : memref<65536xf32, #tpu.memory_space<vmem>>, vector<16xf32>,
      %mul3A_802 = arith.constant 0.0117436284 : f32
      %mul3A_803 = vector.broadcast %mul3A_802 : f32 to vector<16xf32>
      %mul3A_804 = arith.mulf %exp3A, %mul3A_803 : vector<16xf32>
      %add3A_805 = arith.constant 1.000000e+00 : f32
      %add3A_806 = vector.broadcast %add3A_805 : f32 to vector<16xf32>
      %add3A_807 = arith.addf %add3A_806, %mul3A_804 : vector<16xf32>
      %div3A_808 = arith.constant 1.000000e+00 : f32
      %div3A_809 = vector.broadcast %div3A_808 : f32 to vector<16xf32>
      %div3A_810 = arith.divf %div3A_809, %add3A_807 : vector<16xf32>
      %add3A_811 = arith.constant 784 : i32
      %add3A_812 = arith.addi %mul3A_68, %add3A_811 : i32
      %swap3A_813 = arith.index_cast %add3A_812 : i32 to index
      %swap3A_814 = tpu.vector_load %arg15[%swap3A_813] {strides = array<i32>} : memref<65536xf32, #tpu.memory_space<vmem>>, vector<16xf32>,
      %swap3A_815 = vector.shape_cast %swap3A_814 : vector<16xf32> to vector<16xf32>
      %swap3A_816 = vector.shape_cast %div3A_810 : vector<16xf32> to vector<16xf32>
      tpu.vector_store %arg15[%swap3A_813], %swap3A_816 {add = true, strides = array<i32>} : memref<65536xf32, #tpu.memory_space<vmem>>, vector<16xf32>,
      %mul3A_817 = arith.constant 0.00910972524 : f32
      %mul3A_818 = vector.broadcast %mul3A_817 : f32 to vector<16xf32>
      %mul3A_819 = arith.mulf %exp3A, %mul3A_818 : vector<16xf32>
      %add3A_820 = arith.constant 1.000000e+00 : f32
      %add3A_821 = vector.broadcast %add3A_820 : f32 to vector<16xf32>
      %add3A_822 = arith.addf %add3A_821, %mul3A_819 : vector<16xf32>
      %div3A_823 = arith.constant 1.000000e+00 : f32
      %div3A_824 = vector.broadcast %div3A_823 : f32 to vector<16xf32>
      %div3A_825 = arith.divf %div3A_824, %add3A_822 : vector<16xf32>
      %add3A_826 = arith.constant 800 : i32
      %add3A_827 = arith.addi %mul3A_68, %add3A_826 : i32
      %swap3A_828 = arith.index_cast %add3A_827 : i32 to index
      %swap3A_829 = tpu.vector_load %arg15[%swap3A_828] {strides = array<i32>} : memref<65536xf32, #tpu.memory_space<vmem>>, vector<16xf32>,
      %swap3A_830 = vector.shape_cast %swap3A_829 : vector<16xf32> to vector<16xf32>
      %swap3A_831 = vector.shape_cast %div3A_825 : vector<16xf32> to vector<16xf32>
      tpu.vector_store %arg15[%swap3A_828], %swap3A_831 {add = true, strides = array<i32>} : memref<65536xf32, #tpu.memory_space<vmem>>, vector<16xf32>,
      %mul3A_832 = arith.constant 0.0070665637 : f32
      %mul3A_833 = vector.broadcast %mul3A_832 : f32 to vector<16xf32>
      %mul3A_834 = arith.mulf %exp3A, %mul3A_833 : vector<16xf32>
      %add3A_835 = arith.constant 1.000000e+00 : f32
      %add3A_836 = vector.broadcast %add3A_835 : f32 to vector<16xf32>
      %add3A_837 = arith.addf %add3A_836, %mul3A_834 : vector<16xf32>
      %div3A_838 = arith.constant 1.000000e+00 : f32
      %div3A_839 = vector.broadcast %div3A_838 : f32 to vector<16xf32>
      %div3A_840 = arith.divf %div3A_839, %add3A_837 : vector<16xf32>
      %add3A_841 = arith.constant 816 : i32
      %add3A_842 = arith.addi %mul3A_68, %add3A_841 : i32
      %swap3A_843 = arith.index_cast %add3A_842 : i32 to index
      %swap3A_844 = tpu.vector_load %arg15[%swap3A_843] {strides = array<i32>} : memref<65536xf32, #tpu.memory_space<vmem>>, vector<16xf32>,
      %swap3A_845 = vector.shape_cast %swap3A_844 : vector<16xf32> to vector<16xf32>
      %swap3A_846 = vector.shape_cast %div3A_840 : vector<16xf32> to vector<16xf32>
      tpu.vector_store %arg15[%swap3A_843], %swap3A_846 {add = true, strides = array<i32>} : memref<65536xf32, #tpu.memory_space<vmem>>, vector<16xf32>,
      %mul3A_847 = arith.constant 0.00548164966 : f32
      %mul3A_848 = vector.broadcast %mul3A_847 : f32 to vector<16xf32>
      %mul3A_849 = arith.mulf %exp3A, %mul3A_848 : vector<16xf32>
      %add3A_850 = arith.constant 1.000000e+00 : f32
      %add3A_851 = vector.broadcast %add3A_850 : f32 to vector<16xf32>
      %add3A_852 = arith.addf %add3A_851, %mul3A_849 : vector<16xf32>
      %div3A_853 = arith.constant 1.000000e+00 : f32
      %div3A_854 = vector.broadcast %div3A_853 : f32 to vector<16xf32>
      %div3A_855 = arith.divf %div3A_854, %add3A_852 : vector<16xf32>
      %add3A_856 = arith.constant 832 : i32
      %add3A_857 = arith.addi %mul3A_68, %add3A_856 : i32
      %swap3A_858 = arith.index_cast %add3A_857 : i32 to index
      %swap3A_859 = tpu.vector_load %arg15[%swap3A_858] {strides = array<i32>} : memref<65536xf32, #tpu.memory_space<vmem>>, vector<16xf32>,
      %swap3A_860 = vector.shape_cast %swap3A_859 : vector<16xf32> to vector<16xf32>
      %swap3A_861 = vector.shape_cast %div3A_855 : vector<16xf32> to vector<16xf32>
      tpu.vector_store %arg15[%swap3A_858], %swap3A_861 {add = true, strides = array<i32>} : memref<65536xf32, #tpu.memory_space<vmem>>, vector<16xf32>,
      %mul3A_862 = arith.constant 0.0042522056 : f32
      %mul3A_863 = vector.broadcast %mul3A_862 : f32 to vector<16xf32>
      %mul3A_864 = arith.mulf %exp3A, %mul3A_863 : vector<16xf32>
      %add3A_865 = arith.constant 1.000000e+00 : f32
      %add3A_866 = vector.broadcast %add3A_865 : f32 to vector<16xf32>
      %add3A_867 = arith.addf %add3A_866, %mul3A_864 : vector<16xf32>
      %div3A_868 = arith.constant 1.000000e+00 : f32
      %div3A_869 = vector.broadcast %div3A_868 : f32 to vector<16xf32>
      %div3A_870 = arith.divf %div3A_869, %add3A_867 : vector<16xf32>
      %add3A_871 = arith.constant 848 : i32
      %add3A_872 = arith.addi %mul3A_68, %add3A_871 : i32
      %swap3A_873 = arith.index_cast %add3A_872 : i32 to index
      %swap3A_874 = tpu.vector_load %arg15[%swap3A_873] {strides = array<i32>} : memref<65536xf32, #tpu.memory_space<vmem>>, vector<16xf32>,
      %swap3A_875 = vector.shape_cast %swap3A_874 : vector<16xf32> to vector<16xf32>
      %swap3A_876 = vector.shape_cast %div3A_870 : vector<16xf32> to vector<16xf32>
      tpu.vector_store %arg15[%swap3A_873], %swap3A_876 {add = true, strides = array<i32>} : memref<65536xf32, #tpu.memory_space<vmem>>, vector<16xf32>,
      %mul3A_877 = arith.constant 0.00329850568 : f32
      %mul3A_878 = vector.broadcast %mul3A_877 : f32 to vector<16xf32>
      %mul3A_879 = arith.mulf %exp3A, %mul3A_878 : vector<16xf32>
      %add3A_880 = arith.constant 1.000000e+00 : f32
      %add3A_881 = vector.broadcast %add3A_880 : f32 to vector<16xf32>
      %add3A_882 = arith.addf %add3A_881, %mul3A_879 : vector<16xf32>
      %div3A_883 = arith.constant 1.000000e+00 : f32
      %div3A_884 = vector.broadcast %div3A_883 : f32 to vector<16xf32>
      %div3A_885 = arith.divf %div3A_884, %add3A_882 : vector<16xf32>
      %add3A_886 = arith.constant 864 : i32
      %add3A_887 = arith.addi %mul3A_68, %add3A_886 : i32
      %swap3A_888 = arith.index_cast %add3A_887 : i32 to index
      %swap3A_889 = tpu.vector_load %arg15[%swap3A_888] {strides = array<i32>} : memref<65536xf32, #tpu.memory_space<vmem>>, vector<16xf32>,
      %swap3A_890 = vector.shape_cast %swap3A_889 : vector<16xf32> to vector<16xf32>
      %swap3A_891 = vector.shape_cast %div3A_885 : vector<16xf32> to vector<16xf32>
      tpu.vector_store %arg15[%swap3A_888], %swap3A_891 {add = true, strides = array<i32>} : memref<65536xf32, #tpu.memory_space<vmem>>, vector<16xf32>,
      %mul3A_892 = arith.constant 0.00255870516 : f32
      %mul3A_893 = vector.broadcast %mul3A_892 : f32 to vector<16xf32>
      %mul3A_894 = arith.mulf %exp3A, %mul3A_893 : vector<16xf32>
      %add3A_895 = arith.constant 1.000000e+00 : f32
      %add3A_896 = vector.broadcast %add3A_895 : f32 to vector<16xf32>
      %add3A_897 = arith.addf %add3A_896, %mul3A_894 : vector<16xf32>
      %div3A_898 = arith.constant 1.000000e+00 : f32
      %div3A_899 = vector.broadcast %div3A_898 : f32 to vector<16xf32>
      %div3A_900 = arith.divf %div3A_899, %add3A_897 : vector<16xf32>
      %add3A_901 = arith.constant 880 : i32
      %add3A_902 = arith.addi %mul3A_68, %add3A_901 : i32
      %swap3A_903 = arith.index_cast %add3A_902 : i32 to index
      %swap3A_904 = tpu.vector_load %arg15[%swap3A_903] {strides = array<i32>} : memref<65536xf32, #tpu.memory_space<vmem>>, vector<16xf32>,
      %swap3A_905 = vector.shape_cast %swap3A_904 : vector<16xf32> to vector<16xf32>
      %swap3A_906 = vector.shape_cast %div3A_900 : vector<16xf32> to vector<16xf32>
      tpu.vector_store %arg15[%swap3A_903], %swap3A_906 {add = true, strides = array<i32>} : memref<65536xf32, #tpu.memory_space<vmem>>, vector<16xf32>,
      %mul3A_907 = arith.constant 0.00198482955 : f32
      %mul3A_908 = vector.broadcast %mul3A_907 : f32 to vector<16xf32>
      %mul3A_909 = arith.mulf %exp3A, %mul3A_908 : vector<16xf32>
      %add3A_910 = arith.constant 1.000000e+00 : f32
      %add3A_911 = vector.broadcast %add3A_910 : f32 to vector<16xf32>
      %add3A_912 = arith.addf %add3A_911, %mul3A_909 : vector<16xf32>
      %div3A_913 = arith.constant 1.000000e+00 : f32
      %div3A_914 = vector.broadcast %div3A_913 : f32 to vector<16xf32>
      %div3A_915 = arith.divf %div3A_914, %add3A_912 : vector<16xf32>
      %add3A_916 = arith.constant 896 : i32
      %add3A_917 = arith.addi %mul3A_68, %add3A_916 : i32
      %swap3A_918 = arith.index_cast %add3A_917 : i32 to index
      %swap3A_919 = tpu.vector_load %arg15[%swap3A_918] {strides = array<i32>} : memref<65536xf32, #tpu.memory_space<vmem>>, vector<16xf32>,
      %swap3A_920 = vector.shape_cast %swap3A_919 : vector<16xf32> to vector<16xf32>
      %swap3A_921 = vector.shape_cast %div3A_915 : vector<16xf32> to vector<16xf32>
      tpu.vector_store %arg15[%swap3A_918], %swap3A_921 {add = true, strides = array<i32>} : memref<65536xf32, #tpu.memory_space<vmem>>, vector<16xf32>,
      %mul3A_922 = arith.constant 0.00153966493 : f32
      %mul3A_923 = vector.broadcast %mul3A_922 : f32 to vector<16xf32>
      %mul3A_924 = arith.mulf %exp3A, %mul3A_923 : vector<16xf32>
      %add3A_925 = arith.constant 1.000000e+00 : f32
      %add3A_926 = vector.broadcast %add3A_925 : f32 to vector<16xf32>
      %add3A_927 = arith.addf %add3A_926, %mul3A_924 : vector<16xf32>
      %div3A_928 = arith.constant 1.000000e+00 : f32
      %div3A_929 = vector.broadcast %div3A_928 : f32 to vector<16xf32>
      %div3A_930 = arith.divf %div3A_929, %add3A_927 : vector<16xf32>
      %add3A_931 = arith.constant 912 : i32
      %add3A_932 = arith.addi %mul3A_68, %add3A_931 : i32
      %swap3A_933 = arith.index_cast %add3A_932 : i32 to index
      %swap3A_934 = tpu.vector_load %arg15[%swap3A_933] {strides = array<i32>} : memref<65536xf32, #tpu.memory_space<vmem>>, vector<16xf32>,
      %swap3A_935 = vector.shape_cast %swap3A_934 : vector<16xf32> to vector<16xf32>
      %swap3A_936 = vector.shape_cast %div3A_930 : vector<16xf32> to vector<16xf32>
      tpu.vector_store %arg15[%swap3A_933], %swap3A_936 {add = true, strides = array<i32>} : memref<65536xf32, #tpu.memory_space<vmem>>, vector<16xf32>,
      %mul3A_937 = arith.constant 0.00119434332 : f32
      %mul3A_938 = vector.broadcast %mul3A_937 : f32 to vector<16xf32>
      %mul3A_939 = arith.mulf %exp3A, %mul3A_938 : vector<16xf32>
      %add3A_940 = arith.constant 1.000000e+00 : f32
      %add3A_941 = vector.broadcast %add3A_940 : f32 to vector<16xf32>
      %add3A_942 = arith.addf %add3A_941, %mul3A_939 : vector<16xf32>
      %div3A_943 = arith.constant 1.000000e+00 : f32
      %div3A_944 = vector.broadcast %div3A_943 : f32 to vector<16xf32>
      %div3A_945 = arith.divf %div3A_944, %add3A_942 : vector<16xf32>
      %add3A_946 = arith.constant 928 : i32
      %add3A_947 = arith.addi %mul3A_68, %add3A_946 : i32
      %swap3A_948 = arith.index_cast %add3A_947 : i32 to index
      %swap3A_949 = tpu.vector_load %arg15[%swap3A_948] {strides = array<i32>} : memref<65536xf32, #tpu.memory_space<vmem>>, vector<16xf32>,
      %swap3A_950 = vector.shape_cast %swap3A_949 : vector<16xf32> to vector<16xf32>
      %swap3A_951 = vector.shape_cast %div3A_945 : vector<16xf32> to vector<16xf32>
      tpu.vector_store %arg15[%swap3A_948], %swap3A_951 {add = true, strides = array<i32>} : memref<65536xf32, #tpu.memory_space<vmem>>, vector<16xf32>,
      %mul3A_952 = arith.constant 9.26471781E-4 : f32
      %mul3A_953 = vector.broadcast %mul3A_952 : f32 to vector<16xf32>
      %mul3A_954 = arith.mulf %exp3A, %mul3A_953 : vector<16xf32>
      %add3A_955 = arith.constant 1.000000e+00 : f32
      %add3A_956 = vector.broadcast %add3A_955 : f32 to vector<16xf32>
      %add3A_957 = arith.addf %add3A_956, %mul3A_954 : vector<16xf32>
      %div3A_958 = arith.constant 1.000000e+00 : f32
      %div3A_959 = vector.broadcast %div3A_958 : f32 to vector<16xf32>
      %div3A_960 = arith.divf %div3A_959, %add3A_957 : vector<16xf32>
      %add3A_961 = arith.constant 944 : i32
      %add3A_962 = arith.addi %mul3A_68, %add3A_961 : i32
      %swap3A_963 = arith.index_cast %add3A_962 : i32 to index
      %swap3A_964 = tpu.vector_load %arg15[%swap3A_963] {strides = array<i32>} : memref<65536xf32, #tpu.memory_space<vmem>>, vector<16xf32>,
      %swap3A_965 = vector.shape_cast %swap3A_964 : vector<16xf32> to vector<16xf32>
      %swap3A_966 = vector.shape_cast %div3A_960 : vector<16xf32> to vector<16xf32>
      tpu.vector_store %arg15[%swap3A_963], %swap3A_966 {add = true, strides = array<i32>} : memref<65536xf32, #tpu.memory_space<vmem>>, vector<16xf32>,
      %mul3A_967 = arith.constant 7.18679395E-4 : f32
      %mul3A_968 = vector.broadcast %mul3A_967 : f32 to vector<16xf32>
      %mul3A_969 = arith.mulf %exp3A, %mul3A_968 : vector<16xf32>
      %add3A_970 = arith.constant 1.000000e+00 : f32
      %add3A_971 = vector.broadcast %add3A_970 : f32 to vector<16xf32>
      %add3A_972 = arith.addf %add3A_971, %mul3A_969 : vector<16xf32>
      %div3A_973 = arith.constant 1.000000e+00 : f32
      %div3A_974 = vector.broadcast %div3A_973 : f32 to vector<16xf32>
      %div3A_975 = arith.divf %div3A_974, %add3A_972 : vector<16xf32>
      %add3A_976 = arith.constant 960 : i32
      %add3A_977 = arith.addi %mul3A_68, %add3A_976 : i32
      %swap3A_978 = arith.index_cast %add3A_977 : i32 to index
      %swap3A_979 = tpu.vector_load %arg15[%swap3A_978] {strides = array<i32>} : memref<65536xf32, #tpu.memory_space<vmem>>, vector<16xf32>,
      %swap3A_980 = vector.shape_cast %swap3A_979 : vector<16xf32> to vector<16xf32>
      %swap3A_981 = vector.shape_cast %div3A_975 : vector<16xf32> to vector<16xf32>
      tpu.vector_store %arg15[%swap3A_978], %swap3A_981 {add = true, strides = array<i32>} : memref<65536xf32, #tpu.memory_space<vmem>>, vector<16xf32>,
      %mul3A_982 = arith.constant 5.57491381E-4 : f32
      %mul3A_983 = vector.broadcast %mul3A_982 : f32 to vector<16xf32>
      %mul3A_984 = arith.mulf %exp3A, %mul3A_983 : vector<16xf32>
      %add3A_985 = arith.constant 1.000000e+00 : f32
      %add3A_986 = vector.broadcast %add3A_985 : f32 to vector<16xf32>
      %add3A_987 = arith.addf %add3A_986, %mul3A_984 : vector<16xf32>
      %div3A_988 = arith.constant 1.000000e+00 : f32
      %div3A_989 = vector.broadcast %div3A_988 : f32 to vector<16xf32>
      %div3A_990 = arith.divf %div3A_989, %add3A_987 : vector<16xf32>
      %add3A_991 = arith.constant 976 : i32
      %add3A_992 = arith.addi %mul3A_68, %add3A_991 : i32
      %swap3A_993 = arith.index_cast %add3A_992 : i32 to index
      %swap3A_994 = tpu.vector_load %arg15[%swap3A_993] {strides = array<i32>} : memref<65536xf32, #tpu.memory_space<vmem>>, vector<16xf32>,
      %swap3A_995 = vector.shape_cast %swap3A_994 : vector<16xf32> to vector<16xf32>
      %swap3A_996 = vector.shape_cast %div3A_990 : vector<16xf32> to vector<16xf32>
      tpu.vector_store %arg15[%swap3A_993], %swap3A_996 {add = true, strides = array<i32>} : memref<65536xf32, #tpu.memory_space<vmem>>, vector<16xf32>,
      %mul3A_997 = arith.constant 4.32455243E-4 : f32
      %mul3A_998 = vector.broadcast %mul3A_997 : f32 to vector<16xf32>
      %mul3A_999 = arith.mulf %exp3A, %mul3A_998 : vector<16xf32>
      %add3A_1000 = arith.constant 1.000000e+00 : f32
      %add3A_1001 = vector.broadcast %add3A_1000 : f32 to vector<16xf32>
      %add3A_1002 = arith.addf %add3A_1001, %mul3A_999 : vector<16xf32>
      %div3A_1003 = arith.constant 1.000000e+00 : f32
      %div3A_1004 = vector.broadcast %div3A_1003 : f32 to vector<16xf32>
      %div3A_1005 = arith.divf %div3A_1004, %add3A_1002 : vector<16xf32>
      %add3A_1006 = arith.constant 992 : i32
      %add3A_1007 = arith.addi %mul3A_68, %add3A_1006 : i32
      %swap3A_1008 = arith.index_cast %add3A_1007 : i32 to index
      %swap3A_1009 = tpu.vector_load %arg15[%swap3A_1008] {strides = array<i32>} : memref<65536xf32, #tpu.memory_space<vmem>>, vector<16xf32>,
      %swap3A_1010 = vector.shape_cast %swap3A_1009 : vector<16xf32> to vector<16xf32>
      %swap3A_1011 = vector.shape_cast %div3A_1005 : vector<16xf32> to vector<16xf32>
      tpu.vector_store %arg15[%swap3A_1008], %swap3A_1011 {add = true, strides = array<i32>} : memref<65536xf32, #tpu.memory_space<vmem>>, vector<16xf32>,
      %mul3A_1012 = arith.constant 3.35462624E-4 : f32
      %mul3A_1013 = vector.broadcast %mul3A_1012 : f32 to vector<16xf32>
      %mul3A_1014 = arith.mulf %exp3A, %mul3A_1013 : vector<16xf32>
      %add3A_1015 = arith.constant 1.000000e+00 : f32
      %add3A_1016 = vector.broadcast %add3A_1015 : f32 to vector<16xf32>
      %add3A_1017 = arith.addf %add3A_1016, %mul3A_1014 : vector<16xf32>
      %div3A_1018 = arith.constant 1.000000e+00 : f32
      %div3A_1019 = vector.broadcast %div3A_1018 : f32 to vector<16xf32>
      %div3A_1020 = arith.divf %div3A_1019, %add3A_1017 : vector<16xf32>
      %add3A_1021 = arith.constant 1008 : i32
      %add3A_1022 = arith.addi %mul3A_68, %add3A_1021 : i32
      %swap3A_1023 = arith.index_cast %add3A_1022 : i32 to index
      %swap3A_1024 = tpu.vector_load %arg15[%swap3A_1023] {strides = array<i32>} : memref<65536xf32, #tpu.memory_space<vmem>>, vector<16xf32>,
      %swap3A_1025 = vector.shape_cast %swap3A_1024 : vector<16xf32> to vector<16xf32>
      %swap3A_1026 = vector.shape_cast %div3A_1020 : vector<16xf32> to vector<16xf32>
      tpu.vector_store %arg15[%swap3A_1023], %swap3A_1026 {add = true, strides = array<i32>} : memref<65536xf32, #tpu.memory_space<vmem>>, vector<16xf32>,
    }
    %scan3A_28 = arith.constant 256 : i32
    "tpu.region"() ({
      %run_scoped3A = tpu.sem_alloc : memref<!tpu.dma_semaphore, #tpu.memory_space<semaphore_mem>>
      %dma_start3A = arith.constant 0 : i32
      %dma_start3A_29 = tpu.memref_slice %arg8[%add3A, %dma_start3A] : memref<32x65536xf32, #tpu.memory_space<hbm>> -> memref<1x65536xf32, #tpu.memory_space<hbm>>
      %dma_start3A_30 = tpu.memref_squeeze %dma_start3A_29 : memref<1x65536xf32, #tpu.memory_space<hbm>> -> memref<65536xf32, #tpu.memory_space<hbm>>
      %dma_start3A_31 = arith.constant 0 : i32
      %dma_start3A_32 = tpu.memref_slice %arg8[%add3A, %dma_start3A_31] : memref<32x65536xf32, #tpu.memory_space<hbm>> -> memref<1x65536xf32, #tpu.memory_space<hbm>>
      %dma_start3A_33 = tpu.memref_squeeze %dma_start3A_32 : memref<1x65536xf32, #tpu.memory_space<hbm>> -> memref<65536xf32, #tpu.memory_space<hbm>>
      tpu.enqueue_dma source(%arg15 : memref<65536xf32, #tpu.memory_space<vmem>>) target(%dma_start3A_33 : memref<65536xf32, #tpu.memory_space<hbm>>) target_semaphore(%run_scoped3A : memref<!tpu.dma_semaphore, #tpu.memory_space<semaphore_mem>>)
      %dma_wait3A = arith.constant 0 : i32
      %dma_wait3A_34 = tpu.memref_slice %arg8[%add3A, %dma_wait3A] : memref<32x65536xf32, #tpu.memory_space<hbm>> -> memref<1x65536xf32, #tpu.memory_space<hbm>>
      %dma_wait3A_35 = tpu.memref_squeeze %dma_wait3A_34 : memref<1x65536xf32, #tpu.memory_space<hbm>> -> memref<65536xf32, #tpu.memory_space<hbm>>
      %dma_wait3A_36 = arith.constant 0 : i32
      %dma_wait3A_37 = tpu.memref_slice %arg8[%add3A, %dma_wait3A_36] : memref<32x65536xf32, #tpu.memory_space<hbm>> -> memref<1x65536xf32, #tpu.memory_space<hbm>>
      %dma_wait3A_38 = tpu.memref_squeeze %dma_wait3A_37 : memref<1x65536xf32, #tpu.memory_space<hbm>> -> memref<65536xf32, #tpu.memory_space<hbm>>
      tpu.wait_dma2 semaphore(%run_scoped3A : memref<!tpu.dma_semaphore, #tpu.memory_space<semaphore_mem>>) src(%arg15 : memref<65536xf32, #tpu.memory_space<vmem>>) dst(%dma_wait3A_38 : memref<65536xf32, #tpu.memory_space<hbm>>)
      tpu.yield
    }) : () -> ()
    return
  }
}

module attributes {stable_mosaic.version = 14 : i64} {
  func.func @_combine_kernel(%arg0: i32, %arg1: memref<32x64x1024xf32, #tpu.memory_space<vmem>>, %arg2: memref<64x1024xf32, #tpu.memory_space<vmem>>, %arg3: memref<64x1024xf32, #tpu.memory_space<vmem>>) attributes {dimension_semantics = [#tpu.dimension_semantics<arbitrary>], iteration_bounds = array<i64: 1>, scalar_prefetch = 0 : i64, scratch_operands = 0 : i64, tpu.core_type = #tpu.core_type<tc>, window_params = [{pipeline_mode = #tpu.pipeline_mode<synchronous>, transform_indices = @transform_0, window_bounds = array<i64: 32, 64, 1024>}, {pipeline_mode = #tpu.pipeline_mode<synchronous>, transform_indices = @transform_1, window_bounds = array<i64: 64, 1024>}, {pipeline_mode = #tpu.pipeline_mode<synchronous>, transform_indices = @transform_2, window_bounds = array<i64: 64, 1024>}]} {
    %get3A = arith.constant 0 : index
    %get3A_0 = arith.constant 0 : index
    %get3A_1 = arith.constant 0 : index
    %get3A_2 = vector.load %arg1[%get3A, %get3A_0, %get3A_1] : memref<32x64x1024xf32, #tpu.memory_space<vmem>>, vector<32x64x1024xf32>
    %reduce_sum3A = arith.constant dense<0.000000e+00> : vector<64x1024xf32>
    %reduce_sum3A_3 = vector.multi_reduction <add>, %get3A_2, %reduce_sum3A [0] : vector<32x64x1024xf32> to vector<64x1024xf32>
    %get3A_4 = arith.constant 0 : index
    %get3A_5 = arith.constant 0 : index
    %get3A_6 = vector.load %arg2[%get3A_4, %get3A_5] : memref<64x1024xf32, #tpu.memory_space<vmem>>, vector<64x1024xf32>
    %add3A = arith.addf %reduce_sum3A_3, %get3A_6 : vector<64x1024xf32>
    %reduce_max3A = arith.constant dense<0xFF800000> : vector<64xf32>
    %reduce_max3A_7 = vector.multi_reduction <maximumf>, %add3A, %reduce_max3A [1] : vector<64x1024xf32> to vector<64xf32>
    %broadcast_in_dim3A = vector.shape_cast %reduce_max3A_7 : vector<64xf32> to vector<64x1xf32>
    %eq3A = arith.constant 0.000000e+00 : f32
    %eq3A_8 = vector.broadcast %eq3A : f32 to vector<64x1xf32>
    %eq3A_9 = arith.cmpf oeq, %broadcast_in_dim3A, %eq3A_8 : vector<64x1xf32>
    %jit3A = arith.constant 1.000000e+00 : f32
    %broadcast_in_dim3A_10 = vector.broadcast %jit3A : f32 to vector<64x1xf32>
    %select_n3A = arith.select %eq3A_9, %broadcast_in_dim3A_10, %broadcast_in_dim3A : vector<64x1xi1>, vector<64x1xf32>
    %div3A = vector.broadcast %select_n3A : vector<64x1xf32> to vector<64x1024xf32>
    %div3A_11 = arith.divf %add3A, %div3A : vector<64x1024xf32>
    %swap3A = arith.constant 0 : index
    %swap3A_12 = arith.constant 0 : index
    %swap3A_13 = vector.load %arg3[%swap3A, %swap3A_12] : memref<64x1024xf32, #tpu.memory_space<vmem>>, vector<64x1024xf32>
    tpu.vector_store %arg3[%swap3A, %swap3A_12], %div3A_11 {strides = array<i32>} : memref<64x1024xf32, #tpu.memory_space<vmem>>, vector<64x1024xf32>,
    return
  }
  func.func @transform_0(%arg0: i32) -> (i32, i32, i32) {
    %c0_i32 = arith.constant 0 : i32
    %c0_i32_0 = arith.constant 0 : i32
    %c0_i32_1 = arith.constant 0 : i32
    %c0_i32_2 = arith.constant 0 : i32
    return %c0_i32, %c0_i32_0, %c0_i32_1 : i32, i32, i32
  }
  func.func @transform_1(%arg0: i32) -> (i32, i32) {
    %c0_i32 = arith.constant 0 : i32
    %c0_i32_0 = arith.constant 0 : i32
    %c0_i32_1 = arith.constant 0 : i32
    return %c0_i32, %c0_i32_0 : i32, i32
  }
  func.func @transform_2(%arg0: i32) -> (i32, i32) {
    %c0_i32 = arith.constant 0 : i32
    %c0_i32_0 = arith.constant 0 : i32
    %c0_i32_1 = arith.constant 0 : i32
    return %c0_i32, %c0_i32_0 : i32, i32
  }
}

module attributes {stable_mosaic.version = 14 : i64} {
  func.func @_tc_kernel(%arg0: i32, %arg1: memref<4096x3xf32, #tpu.memory_space<vmem>>, %arg2: memref<3x16xf32, #tpu.memory_space<vmem>>, %arg3: memref<16x1024xbf16, #tpu.memory_space<vmem>>, %arg4: memref<1x1x4096xi32, #tpu.memory_space<vmem>>, %arg5: memref<1x1x4096xi32, #tpu.memory_space<vmem>>, %arg6: memref<64x1024xf32, #tpu.memory_space<vmem>>) attributes {dimension_semantics = [#tpu.dimension_semantics<arbitrary>], iteration_bounds = array<i64: 6>, scalar_prefetch = 0 : i64, scratch_operands = 0 : i64, tpu.core_type = #tpu.core_type<tc>, window_params = [{transform_indices = @transform_0, window_bounds = array<i64: 4096, 3>}, {pipeline_mode = #tpu.pipeline_mode<synchronous>, transform_indices = @transform_1, window_bounds = array<i64: 3, 16>}, {pipeline_mode = #tpu.pipeline_mode<synchronous>, transform_indices = @transform_2, window_bounds = array<i64: 16, 1024>}, {transform_indices = @transform_3, window_bounds = array<i64: 1, 1, 4096>}, {transform_indices = @transform_4, window_bounds = array<i64: 1, 1, 4096>}, {pipeline_mode = #tpu.pipeline_mode<synchronous>, transform_indices = @transform_5, window_bounds = array<i64: 64, 1024>}]} {
    %get3A = arith.constant 0 : index
    %get3A_0 = arith.constant 0 : index
    %get3A_1 = vector.load %arg1[%get3A, %get3A_0] : memref<4096x3xf32, #tpu.memory_space<vmem>>, vector<4096x3xf32>
    %get3A_2 = arith.constant 0 : index
    %get3A_3 = arith.constant 0 : index
    %get3A_4 = vector.load %arg2[%get3A_2, %get3A_3] : memref<3x16xf32, #tpu.memory_space<vmem>>, vector<3x16xf32>
    %mul3A = arith.constant 11.5415602 : f32
    %mul3A_5 = vector.broadcast %mul3A : f32 to vector<3x16xf32>
    %mul3A_6 = arith.mulf %mul3A_5, %get3A_4 : vector<3x16xf32>
    %dot_general3A = arith.constant dense<0.000000e+00> : vector<4096x16xf32>
    %dot_general3A_7 = tpu.matmul %get3A_1, %mul3A_6, %dot_general3A {dimension_numbers = #tpu.dot_dimension_numbers<[1], [0], [0], [1], [0, 0, 1, 1], [], []>, transpose_lhs_hint = false} : vector<4096x3xf32>, vector<3x16xf32>, vector<4096x16xf32> -> vector<4096x16xf32>
    %jit3A = arith.constant -1.260000e+02 : f32
    %jit3A_8 = arith.constant 1.260000e+02 : f32
    %max3A = vector.broadcast %jit3A : f32 to vector<4096x16xf32>
    %max3A_9 = arith.maximumf %max3A, %dot_general3A_7 : vector<4096x16xf32>
    %min3A = vector.broadcast %jit3A_8 : f32 to vector<4096x16xf32>
    %min3A_10 = arith.minimumf %min3A, %max3A_9 : vector<4096x16xf32>
    %exp23A = math.exp2 %min3A_10 : vector<4096x16xf32>
    %convert_element_type3A = arith.truncf %exp23A : vector<4096x16xf32> to vector<4096x16xbf16>
    %get3A_11 = arith.constant 0 : index
    %get3A_12 = arith.constant 0 : index
    %get3A_13 = vector.load %arg3[%get3A_11, %get3A_12] : memref<16x1024xbf16, #tpu.memory_space<vmem>>, vector<16x1024xbf16>
    %dot_general3A_14 = arith.constant dense<0.000000e+00> : vector<4096x1024xf32>
    %dot_general3A_15 = tpu.matmul %convert_element_type3A, %get3A_13, %dot_general3A_14 {dimension_numbers = #tpu.dot_dimension_numbers<[1], [0], [0], [1], [0, 0, 1, 1], [], []>, transpose_lhs_hint = false} : vector<4096x16xbf16>, vector<16x1024xbf16>, vector<4096x1024xf32> -> vector<4096x1024xf32>
    %add3A = arith.constant 1.000000e+00 : f32
    %add3A_16 = vector.broadcast %add3A : f32 to vector<4096x1024xf32>
    %add3A_17 = arith.addf %add3A_16, %dot_general3A_15 : vector<4096x1024xf32>
    %div3A = arith.constant 1.000000e+00 : f32
    %div3A_18 = vector.broadcast %div3A : f32 to vector<4096x1024xf32>
    %div3A_19 = arith.divf %div3A_18, %add3A_17 : vector<4096x1024xf32>
    %convert_element_type3A_20 = arith.truncf %div3A_19 : vector<4096x1024xf32> to vector<4096x1024xbf16>
    %get3A_21 = arith.constant 0 : index
    %get3A_22 = arith.constant 0 : index
    %get3A_23 = arith.constant 0 : index
    %get3A_24 = vector.load %arg4[%get3A_21, %get3A_22, %get3A_23] : memref<1x1x4096xi32, #tpu.memory_space<vmem>>, vector<1x1x4096xi32>
    %get3A_25 = vector.shape_cast %get3A_24 : vector<1x1x4096xi32> to vector<1x4096xi32>
    %mul3A_26 = arith.constant 4 : i32
    %mul3A_27 = vector.broadcast %mul3A_26 : i32 to vector<1x4096xi32>
    %mul3A_28 = arith.muli %mul3A_27, %get3A_25 : vector<1x4096xi32>
    %get3A_29 = arith.constant 0 : index
    %get3A_30 = arith.constant 0 : index
    %get3A_31 = arith.constant 0 : index
    %get3A_32 = vector.load %arg5[%get3A_29, %get3A_30, %get3A_31] : memref<1x1x4096xi32, #tpu.memory_space<vmem>>, vector<1x1x4096xi32>
    %get3A_33 = vector.shape_cast %get3A_32 : vector<1x1x4096xi32> to vector<1x4096xi32>
    %add3A_34 = arith.addi %mul3A_28, %get3A_33 : vector<1x4096xi32>
    %iota3A = tpu.iota {dimensions = array<i32: 0>} : vector<64x4096xi32>
    %eq3A = vector.broadcast %add3A_34 : vector<1x4096xi32> to vector<64x4096xi32>
    %eq3A_35 = arith.cmpi eq, %eq3A, %iota3A : vector<64x4096xi32>
    %convert_element_type3A_36 = arith.extui %eq3A_35 : vector<64x4096xi1> to vector<64x4096xi32>
    %convert_element_type3A_37 = arith.sitofp %convert_element_type3A_36 : vector<64x4096xi32> to vector<64x4096xf32>
    %convert_element_type3A_38 = arith.truncf %convert_element_type3A_37 : vector<64x4096xf32> to vector<64x4096xbf16>
    %dot_general3A_39 = arith.constant dense<0.000000e+00> : vector<64x1024xf32>
    %dot_general3A_40 = tpu.matmul %convert_element_type3A_38, %convert_element_type3A_20, %dot_general3A_39 {dimension_numbers = #tpu.dot_dimension_numbers<[1], [0], [0], [1], [0, 0, 1, 1], [], []>, transpose_lhs_hint = false} : vector<64x4096xbf16>, vector<4096x1024xbf16>, vector<64x1024xf32> -> vector<64x1024xf32>
    %eq3A_41 = arith.constant 0 : i32
    %eq3A_42 = arith.cmpi eq, %arg0, %eq3A_41 : i32
    %convert_element_type3A_43 = arith.extui %eq3A_42 : i1 to i32
    %cond3A = arith.constant 0 : i32
    %cond3A_44 = arith.cmpi ne, %convert_element_type3A_43, %cond3A : i32
    scf.if %cond3A_44 {
      %swap3A = arith.constant 0 : index
      %swap3A_49 = arith.constant 0 : index
      %swap3A_50 = vector.load %arg6[%swap3A, %swap3A_49] : memref<64x1024xf32, #tpu.memory_space<vmem>>, vector<64x1024xf32>
      tpu.vector_store %arg6[%swap3A, %swap3A_49], %dot_general3A_40 {strides = array<i32>} : memref<64x1024xf32, #tpu.memory_space<vmem>>, vector<64x1024xf32>,
    } else {
    }
    %gt3A = arith.constant 0 : i32
    %gt3A_45 = arith.cmpi sgt, %arg0, %gt3A : i32
    %convert_element_type3A_46 = arith.extui %gt3A_45 : i1 to i32
    %cond3A_47 = arith.constant 0 : i32
    %cond3A_48 = arith.cmpi ne, %convert_element_type3A_46, %cond3A_47 : i32
    scf.if %cond3A_48 {
      %get3A_49 = arith.constant 0 : index
      %get3A_50 = arith.constant 0 : index
      %get3A_51 = vector.load %arg6[%get3A_49, %get3A_50] : memref<64x1024xf32, #tpu.memory_space<vmem>>, vector<64x1024xf32>
      %add3A_52 = arith.addf %get3A_51, %dot_general3A_40 : vector<64x1024xf32>
      %swap3A = arith.constant 0 : index
      %swap3A_53 = arith.constant 0 : index
      %swap3A_54 = vector.load %arg6[%swap3A, %swap3A_53] : memref<64x1024xf32, #tpu.memory_space<vmem>>, vector<64x1024xf32>
      tpu.vector_store %arg6[%swap3A, %swap3A_53], %add3A_52 {strides = array<i32>} : memref<64x1024xf32, #tpu.memory_space<vmem>>, vector<64x1024xf32>,
    } else {
    }
    return
  }
  func.func @transform_0(%arg0: i32) -> (i32, i32) {
    %c0_i32 = arith.constant 0 : i32
    %c0_i32_0 = arith.constant 0 : i32
    return %arg0, %c0_i32 : i32, i32
  }
  func.func @transform_1(%arg0: i32) -> (i32, i32) {
    %c0_i32 = arith.constant 0 : i32
    %c0_i32_0 = arith.constant 0 : i32
    %c0_i32_1 = arith.constant 0 : i32
    return %c0_i32, %c0_i32_0 : i32, i32
  }
  func.func @transform_2(%arg0: i32) -> (i32, i32) {
    %c0_i32 = arith.constant 0 : i32
    %c0_i32_0 = arith.constant 0 : i32
    %c0_i32_1 = arith.constant 0 : i32
    return %c0_i32, %c0_i32_0 : i32, i32
  }
  func.func @transform_3(%arg0: i32) -> (i32, i32, i32) {
    %c0_i32 = arith.constant 0 : i32
    %c0_i32_0 = arith.constant 0 : i32
    %c0_i32_1 = arith.constant 0 : i32
    return %arg0, %c0_i32, %c0_i32_0 : i32, i32, i32
  }
  func.func @transform_4(%arg0: i32) -> (i32, i32, i32) {
    %c0_i32 = arith.constant 0 : i32
    %c0_i32_0 = arith.constant 0 : i32
    %c0_i32_1 = arith.constant 0 : i32
    return %arg0, %c0_i32, %c0_i32_0 : i32, i32, i32
  }
  func.func @transform_5(%arg0: i32) -> (i32, i32) {
    %c0_i32 = arith.constant 0 : i32
    %c0_i32_0 = arith.constant 0 : i32
    %c0_i32_1 = arith.constant 0 : i32
    return %c0_i32, %c0_i32_0 : i32, i32
  }
}

</mosaic_0001>

<sc_bundles>
// kernel: kernel.5.cloned.1.call-start
scs
__scs_entry_jumppad:
0x0: {  	(pc) =	sbr.rel $0x88, $3  }
0x1: {  	(tag) =	ssettag $0x0;
	lr =	simm.s32 $0x1  }
0x2: {  	[smem:$0x3F9D] =	sst lr;
	_ =	strace $0xD0000000  }
0x3: {  	_ = 	snop  }
0x4: {  	_ = 	snop  }
0x5: {  	_ = 	snop  }
0x6: {  	_ = 	snop  }
0x7: {  	_ = 	snop  }
__scs_overlays_trampoline_lowered:
0x8: {  	[smem:$0x3FAC] =	sst s0  }
0x9: {  	[smem:$0x3FAD] =	sst s1  }
0xa: {  	[smem:$0x3FAE] =	sst s2  }
0xb: {  	[smem:$0x3FAF] =	sst s3  }
0xc: {  	[smem:$0x3FB0] =	sst s4  }
0xd: {  	[smem:$0x3FB1] =	sst s5  }
0xe: {  	[smem:$0x3FB2] =	sst s6  }
0xf: {  	[smem:$0x3FB3] =	sst s7  }
0x10: {  	[smem:$0x3FB4] =	sst s8  }
0x11: {  	[smem:$0x3FB5] =	sst s9;
	s0 =	simm.s32 @!p0 $0x0  }
0x12: {  	s1 =	sld [smem:$0x3F9B];
	s0 =	simm.s32 @p0 $0x1  }
0x13: {  	[smem:$0x3FB6] =	sst s0;
	s0 =	simm.s32 @!p1 $0x0  }
0x14: {  	s2 =	sld [smem:$0x3F9A];
	s0 =	simm.s32 @p1 $0x1  }
0x15: {  	[smem:$0x3FB7] =	sst s0;
	s0 =	simm.s32 @!p2 $0x0  }
0x16: {  	s3 =	sld [smem:$0x3FDB];
	s0 =	simm.s32 @p2 $0x1  }
0x17: {  	s4 =	simm.s32 $0x1BF5;
	[smem:$0x3FB9] =	sst s0  }
0x18: {  	s0 =	sld [smem:$0x3F9C];
	_ =	swait.ge [sflag:s4], $0x0  }
0x19: {  	s7 =	sld [smem:$0x3F9D]  }
0x1a: {  	s8 =	sadd.s32 $0xFFFFE003, lr  }
0x1b: {  	s9 =	sadd.s32 $0xFFFFFEF7, lr;
	s5 =	simm.s32 $0xFFFFFFFF;
	p2 =	slt.u32 s8, $0xFFFFF086  }
0x1c: {  	p1 =	slt.u32 s9, $0xF7A;
	s5 =	simm.s32 @!p2 $0x0  }
0x1d: {  	s5 =	simm.s32 @p1 $0x1;
	p0 =	seq.s32 s7, s2  }
0x1e: {  	s7 =	smul.u32 @!p0 $0xF7A, s2;
	p2 =	seq.s32 @!p0 s5, $0x0  }
0x1f: {  	s9 =	smul.u32 $0xF7A, s1;
	s8 =	simm.s32 @!p0 $0x1BF5;
	p2 =	por !p2, p0  }
0x20: {  	[sflag:s8] =	ssyncset.s32 @!p0 $0xFFFFF086;
	s6 =	sadd.s32 @!p0 s3, s7;
	s7 =	simm.s32 @!p0 $0x108  }
0x21: {  	s3 =	sadd.s32 s3, s9;
	s6 =	sadd.s32 @!p0 $0x88, s6;
	s7 =	simm.s32 @p2 $0x1082  }
0x22: {  	[simem:s7], [sflag:s8] =	dma.local @!p0 [hbm:s6], $0xF7A  }
0x23: {  	s9 =	sor.u32 $0xD0000000, s2;
	s6 =	simm.s32 $0x108;
	_ =	swait.ge @!p0 [sflag:s8], $0x0  }
0x24: {  	s3 =	sadd.s32 $0x88, s3;
	s6 =	simm.s32 @!p1 $0x1082;
	[sflag:s4] =	ssyncset.s32 $0xFFFFF086  }
0x25: {  	[simem:s6], [sflag:s4] =	dma.local [hbm:s3], $0xF7A  }
0x26: {  	[smem:$0x3F9D] =	sst s1;
	(tag) =	ssettag s2;
	_ =	strace s9  }
0x27: {  	s1 =	sld [smem:$0x3FAD]  }
0x28: {  	s2 =	sld [smem:$0x3FAE]  }
0x29: {  	s4 =	sld [smem:$0x3FB0]  }
0x2a: {  	p0 =	seq.s32 s5, $0x0;
	s5 =	sld [smem:$0x3FB1]  }
0x2b: {  	s6 =	sld [smem:$0x3FB2]  }
0x2c: {  	s7 =	sld [smem:$0x3FB3]  }
0x2d: {  	s3 =	simm.s32 $0x108;
	s8 =	sld [smem:$0x3FB4]  }
0x2e: {  	s3 =	simm.s32 @!p0 $0x1082;
	s9 =	sld [smem:$0x3FB5]  }
0x2f: {  	lr =	sadd.s32 s0, s3;
	s0 =	sld [smem:$0x3FAC]  }
0x30: {  	s3 =	sld [smem:$0x3FAF]  }
0x31: {  	[smem:$0x3FB8] =	sst s10  }
0x32: {  	s10 =	sld [smem:$0x3FB6];
	_ =	sdelay $0x3  }
0x33: {  	p0 =	seq.s32 s10, $0x1;
	s10 =	sld [smem:$0x3FB8];
	_ =	sdelay $0x3  }
0x34: {  	[smem:$0x3FB8] =	sst s10  }
0x35: {  	s10 =	sld [smem:$0x3FB7];
	_ =	sdelay $0x3  }
0x36: {  	p1 =	seq.s32 s10, $0x1;
	s10 =	sld [smem:$0x3FB8];
	_ =	sdelay $0x3  }
0x37: {  	[smem:$0x3FB8] =	sst s10  }
0x38: {  	s10 =	sld [smem:$0x3FB9]  }
0x39: {  	_ = 	snop;
	(pc) =	sbr.ind lr, $3  }
0x3a: {  	_ = 	snop  }
0x3b: {  	_ = 	snop  }
0x3c: {  	p2 =	seq.s32 s10, $0x1;
	s10 =	sld [smem:$0x3FB8]  }
0x3d: {  	_ =	shalt  }
0x3e: {  	_ =	shalt  }
0x3f: {  	_ =	shalt  }
0x40: {  	_ =	shalt  }
0x41: {  	_ =	shalt  }
0x42: {  	_ =	shalt  }
0x43: {  	_ =	shalt  }
0x44: {  	_ =	shalt  }
0x45: {  	_ =	shalt  }
0x46: {  	_ =	shalt  }
0x47: {  	_ =	shalt  }
0x48: {  	_ =	shalt  }
0x49: {  	_ =	shalt  }
0x4a: {  	_ =	shalt  }
0x4b: {  	_ =	shalt  }
0x4c: {  	_ =	shalt  }
0x4d: {  	_ =	shalt  }
0x4e: {  	_ =	shalt  }
0x4f: {  	_ =	shalt  }
0x50: {  	_ =	shalt  }
0x51: {  	_ =	shalt  }
0x52: {  	_ =	shalt  }
0x53: {  	_ =	shalt  }
0x54: {  	_ =	shalt  }
0x55: {  	_ =	shalt  }
0x56: {  	_ =	shalt  }
0x57: {  	_ =	shalt  }
0x58: {  	_ =	shalt  }
0x59: {  	_ =	shalt  }
0x5a: {  	_ =	shalt  }
0x5b: {  	_ =	shalt  }
0x5c: {  	_ =	shalt  }
0x5d: {  	_ =	shalt  }
0x5e: {  	_ =	shalt  }
0x5f: {  	_ =	shalt  }
0x60: {  	_ =	shalt  }
0x61: {  	_ =	shalt  }
0x62: {  	_ =	shalt  }
0x63: {  	_ =	shalt  }
0x64: {  	_ =	shalt  }
0x65: {  	_ =	shalt  }
0x66: {  	_ =	shalt  }
0x67: {  	_ =	shalt  }
0x68: {  	_ =	shalt  }
0x69: {  	_ =	shalt  }
0x6a: {  	_ =	shalt  }
0x6b: {  	_ =	shalt  }
0x6c: {  	_ =	shalt  }
0x6d: {  	_ =	shalt  }
0x6e: {  	_ =	shalt  }
0x6f: {  	_ =	shalt  }
0x70: {  	_ =	shalt  }
0x71: {  	_ =	shalt  }
0x72: {  	_ =	shalt  }
0x73: {  	_ =	shalt  }
0x74: {  	_ =	shalt  }
0x75: {  	_ =	shalt  }
0x76: {  	_ =	shalt  }
0x77: {  	_ =	shalt  }
0x78: {  	_ =	shalt  }
0x79: {  	_ =	shalt  }
0x7a: {  	_ =	shalt  }
0x7b: {  	_ =	shalt  }
0x7c: {  	_ =	shalt  }
0x7d: {  	_ =	shalt  }
0x7e: {  	_ =	shalt  }
0x7f: {  	_ =	shalt  }
0x80: {  	_ =	shalt  }
0x81: {  	_ =	shalt  }
0x82: {  	_ =	shalt  }
0x83: {  	_ =	shalt  }
0x84: {  	_ =	shalt  }
0x85: {  	_ =	shalt  }
0x86: {  	_ =	shalt  }
0x87: {  	_ =	shalt  }
.Lfunc_end0:
.L_simem_size_0:
called_computation_lowered:
.L_overlay_start_0:
0x88: {  	s2 =	sld [smem:$0x3FD9]  }
0x89: {  	s3 =	sld [smem:$0x3FFE];
	_ =	sdelay $0x1  }
0x8a: {  	s1 =	srdreg.scid  }
0x8b: {  	s0 =	sand.u32 $0x1, s1  }
0x8c: {  	s17 =	sshll.u32 s0, $0xA;
	s2 =	sadd.s32 s3, s2  }
0x8d: {  	s2 =	sadd.s32 s2, s17  }
0x8e: {  	[smem:$0x3FC4] =	sst s2  }
0x8f: {  	_ = 	snop  }
0x90: {  	s2 =	sld [smem:$0x3FC8]  }
0x91: {  	s18 =	sld [smem:$0x3FC7]  }
0x92: {  	s4 =	sld [smem:$0x3FC6]  }
0x93: {  	s5 =	sld [smem:$0x3FD0];
	(tm) =	ssettm $0x1  }
0x94: {  	s6 =	sld [smem:$0x3FFB];
	_ =	sdelay $0x3  }
0x95: {  	_ =	strace s6  }
0x96: {  	s6 =	sld [smem:$0x3FFC];
	_ =	sdelay $0x3  }
0x97: {  	_ =	strace s6  }
0x98: {  	s6 =	sld [smem:$0x3FFD];
	_ =	sdelay $0x3  }
0x99: {  	_ =	strace s6  }
0x9a: {  	_ =	strace $0x8FFFFFFF  }
0x9b: {  	s19 =	sld [smem:$0x3FDB];
	_ =	sdelay $0x1  }
0x9c: {  	s7 =	simm.s32 $_scs_section_size  }
0x9d: {  	s8 =	simm.s32 $_size__tile_overlayer_lowered;
	s9 =	simm.s32 $_tile_overlayer_lowered  }
0x9e: {  	s22 =	simm.s32 $0x1BFF;
	s21 =	sshll.u32 s9, $0x1;
	s6 =	sadd.s32 s7, s19  }
0x9f: {  	s10 =	simm.s32 $0x0;
	s20 =	sshll.u32 s8, $0x1;
	s8 =	sadd.s32 s21, s6  }
0xa0: {  	[timem:s10], [sflag:s22] =	dma.local [hbm:s8], s20  }
0xa1: {  	_ =	swait.ge [sflag:s22], s20  }
0xa2: {  	s7 =	ssub.s32 $0x0, s20;
	[sflag:s22] =	ssyncset.done $0x0  }
0xa3: {  	[sflag:s22] =	ssyncadd.s32 s7;
	_ =	sdelay $0x1  }
0xa4: {  	s23 =	simm.s32 $0x1B8B  }
0xa5: {  	_ =	swait.ge [sflag:s23], $0x1  }
0xa6: {  	[sflag:s23] =	ssyncset.done $0x0  }
0xa7: {  	s25 =	simm.s32 $0x1B8E;
	s24 =	sld [smem:$0x3FFE];
	[sflag:s23] =	ssyncadd.s32 $0xFFFFFFFF  }
0xa8: {  	s26 =	simm.s32 $execute0_lowered;
	[smem:$0x3FD2] =	sst s25  }
0xa9: {  	s8 =	sshll.u32 s26, $0x1;
	_ =	strace $0x80000046;
	[dreg:$0x1] =	wrdreg $0xFFFFFFFF  }
0xaa: {  	s28 =	simm.s32 $_size_execute0_lowered;
	s6 =	sadd.s32 s6, s8;
	[dreg:$0x0] =	wrdreg $0x0  }
0xab: {  	s8 =	sshll.u32 s28, $0x1;
	[dreg:$0x2] =	wrdreg s6  }
0xac: {  	[dreg:$0x3] =	wrdreg s8  }
0xad: {  	[dreg:$0x4] =	wrdreg $0xC0  }
0xae: {  	_ =	task [dreg:s10], $0x5FFFF  }
0xaf: {  	[dreg:$0x1] =	wrdreg $0xFFFFFFFF  }
0xb0: {  	[dreg:$0x0] =	wrdreg $0x60  }
0xb1: {  	[dreg:$0x2] =	wrdreg s24  }
0xb2: {  	[dreg:$0x3] =	wrdreg s5  }
0xb3: {  	[dreg:$0x4] =	wrdreg s2  }
0xb4: {  	[dreg:$0x5] =	wrdreg s18  }
0xb5: {  	[dreg:$0x6] =	wrdreg s4  }
0xb6: {  	[dreg:$0x7] =	wrdreg $0x9  }
0xb7: {  	_ =	task.clear_ibuf [dreg:s10], $0x8FFFF;
	_ =	strace $0x90000046  }
0xb8: {  	s29 =	simm.s32 $0x9;
	_ =	strace $0x80000048  }
0xb9: {  	_ =	swait.ge [sflag:s29], $0x1  }
0xba: {  	[sflag:s29] =	ssyncadd.s32 $0xFFFFFFFF  }
0xbb: {  	_ =	strace $0x90000048  }
0xbc: {  	_ =	sfence  }
0xbd: {  	s30 =	sld [smem:$0x0];
	_ =	sdelay $0x2  }
0xbe: {  	s31 =	sshll.u32 s1, $0xD;
	s1 =	sshrl.u32 s1, $0x2  }
0xbf: {  	s3 =	sand.u32 $0x4000, s31;
	s1 =	sadd.s32 s1, s30  }
0xc0: {  	s0 =	sor.u32 s3, s0;
	s1 =	sshll.u32 s1, $0x11  }
0xc1: {  	s0 =	sor.u32 s1, s0  }
0xc2: {  	s0 =	sadd.s32 $0x8F2B, s0  }
0xc3: {  	[sflag:s0] =	ssyncadd.remote.s32 $0x1  }
0xc4: {  	_ =	sfence.sel $0xFFFF  }
0xc5: {  	[dreg:$0x0] =	wrdreg $0xFFFFFFFF;
	(pc) =	sbr.abs _section_cstart, $3  }
0xc6: {  	[dreg:$0x1] =	wrdreg $0xFFFFFFFF  }
0xc7: {  	_ =	task.clear_ibuf [dreg:s10], $0x2FFFF;
	_ =	strace $0x9FFFFFFF  }
0xc8: {  	(tm) =	ssettm $0x7FFFFFFF  }
0xc9: {  	_ =	shalt  }
tec
execute0_lowered:
.L_overlay_start_1:
0x0: {  	(tag) =	ssettag $0x1  }
0x1: {  	s4 =	rddreg [dreg:$0x0]  }
0x2: {  	s6 =	rddreg [dreg:$0x1]  }
0x3: {  	s1 =	rddreg [dreg:$0x2]  }
0x4: {  	s7 =	rddreg [dreg:$0x3]  }
0x5: {  	s8 =	rddreg [dreg:$0x4]  }
0x6: {  	s0 =	rddreg [dreg:$0x5]  }
0x7: {  	s3 =	simm.s32 $0x0;
	s5 =	srdreg.scid;
	s2 =	stileid.u32  }
0x8: {  	s14 =	simm.s32 $0x480;
	s15 =	simm.s32 $0x600;
	s16 =	simm.s32 $0x780  }
0x9: {  	s17 =	simm.s32 $0x80;
	s18 =	simm.s32 $0x400;
	s19 =	simm.s32 $0x980  }
0xa: {  	s20 =	simm.s32 $0x0;
	[smem:$0x7FF] =	sst s3;
	s5 =	sand.u32 $0x1, s5  }
0xb: {  	s9 =	sshll.u32 s2, $0x1;
	s10 =	sshll.u32 s2, $0xE;
	_ =	strace $0x80000047  }
0xc: {  	s9 =	sor.u32 s5, s9;
	s10 =	sand.u32 $0x30000, s10;
	s5 =	ssub.s32 $0x2, s5  }
0xd: {  	s11 =	sshll.u32 s9, $0x5;
	s10 =	sadd.s32 s10, s4;
	s31 =	sshrl.u32 s5, $0x1  }
0xe: {  	s9 =	sshll.u32 s9, $0x4;
	s12 =	sadd.s32 s11, s4;
	s13 =	ssub.s32 s5, s31  }
0xf: {  	s6 =	sadd.s32 s6, s11;
	s9 =	sand.u32 $0x70, s9;
	s7 =	sadd.s32 s7, s11  }
0x10: {  	s8 =	sadd.s32 s8, s11;
	s11 =	simm.s32 $0x1;
	s4 =	sadd.s32 $0x1600, s12  }
0x11: {  	s5 =	sadd.s32 $0x1200, s12;
	s9 =	sadd.s32 s9, s10;
	s10 =	smax.u32 s13, $0x1  }
0x12: {  	v0 =	vimm.f32 $0.0e+00;
	s12 =	simm.s32 $0x180;
	s13 =	simm.s32 $0x300;
	s9 =	sadd.s32 $0x1A00, s9  }
.LBB2_1:
0x13: {  	[tilespmem:s3], [sflag:$0x1] =	stream.linear.gather [hbm4b:s4+s3], $0x100, $0x38;
	[tilespmem:$0x10980] =	vst v63  }
0x14: {  	_ =	swait.ge [sflag:s11], $0x100  }
0x15: {  	[sflag:s11] =	ssyncset.done $0x0  }
0x16: {  	[sflag:s11] =	ssyncadd.s32 $0xFFFFFF00  }
0x17: {  	[tilespmem:s12], [sflag:$0x1] =	stream.linear.gather [hbm4b:s5+s3], $0x100, $0x38;
	[tilespmem:$0x10980] =	vst v63  }
0x18: {  	_ =	swait.ge [sflag:s11], $0x100  }
0x19: {  	[sflag:s11] =	ssyncset.done $0x0  }
0x1a: {  	[sflag:s11] =	ssyncadd.s32 $0xFFFFFF00  }
0x1b: {  	[tilespmem:s13], [sflag:$0x1] =	stream.linear.gather [hbm4b:s6+s3], $0x100, $0x38;
	[tilespmem:$0x10980] =	vst v63  }
0x1c: {  	_ =	swait.ge [sflag:s11], $0x100  }
0x1d: {  	[sflag:s11] =	ssyncset.done $0x0  }
0x1e: {  	[sflag:s11] =	ssyncadd.s32 $0xFFFFFF00  }
0x1f: {  	[tilespmem:s14], [sflag:$0x1] =	stream.linear.gather [hbm4b:s7+s3], $0x100, $0x38;
	[tilespmem:$0x10980] =	vst v63  }
0x20: {  	_ =	swait.ge [sflag:s11], $0x100  }
0x21: {  	[sflag:s11] =	ssyncset.done $0x0  }
0x22: {  	[sflag:s11] =	ssyncadd.s32 $0xFFFFFF00  }
0x23: {  	[tilespmem:s15], [sflag:$0x1] =	stream.linear.gather [hbm4b:s8+s3], $0x100, $0x38;
	[tilespmem:$0x10980] =	vst v63  }
0x24: {  	_ =	swait.ge [sflag:s11], $0x100  }
0x25: {  	[sflag:s11] =	ssyncset.done $0x0  }
0x26: {  	[sflag:s11] =	ssyncadd.s32 $0xFFFFFF00  }
0x27: {  	[tilespmem:s16], [sflag:$0x1] =	stream.linear.gather [hbm4b:s1+s3], $0x180, $0x38;
	[tilespmem:$0x10980] =	vst v63  }
0x28: {  	_ =	swait.ge [sflag:s11], $0x180  }
0x29: {  	[sflag:s11] =	ssyncset.done $0x0  }
0x2a: {  	s21 =	simm.s32 $0x40;
	s22 =	simm.s32 $0x0;
	[sflag:s11] =	ssyncadd.s32 $0xFFFFFE80  }
.LBB2_2:
0x2b: {  	p0 =	sne.s32 s21, $0x3FFC0;
	[tilespmem:s22+$0x980] =	vst v0;
	s22 =	smov.u32 s21;
	s21 =	sadd.s32 $0x40, s21  }
.Ltmp0:
0x2c: {  	(pc) =	sbr.rel @p0 .LBB2_2-.Ltmp0, $2  }
0x2d: {  	_ =	sdelay $0x2  }
0x2e: {  	s22 =	sshra.s32 s22, $0x2  }
0x2f: {  	[tilespmem:s22+$0x980] =	vst v0  }
0x30: {  	v1 =	vld [tilespmem:$0x780]  }
0x31: {  	v2 =	vld [tilespmem:$0x800]  }
0x32: {  	s21 =	simm.s32 $0x0;
	v3 =	vld [tilespmem:$0x880]  }
.LBB2_4:
0x33: {  	s22 =	sshra.s32 s21, $0x2  }
0x34: {  	v4 =	vld.msk [tilespmem:s22+$0x0 ss:$0x0], $0xffff  }
0x35: {  	v5 =	vld.msk [tilespmem:s22+$0x180 ss:$0x0], $0xffff;
	_ =	sdelay $0x1  }
0x36: {  	v6 =	vld.msk [tilespmem:s22+$0x300 ss:$0x0], $0xffff;
	_ =	sdelay $0x2  }
0x37: {  	v4 =	vmul.f32 v4, v1;
	v5 =	vmul.f32 v5, v2;
	_ =	sdelay $0x1  }
0x38: {  	v4 =	vadd.f32 v5, v4;
	v5 =	vmul.f32 v6, v3;
	_ =	sdelay $0x1  }
0x39: {  	v4 =	vadd.f32 v5, v4;
	_ =	sdelay $0x1  }
0x3a: {  	v4 =	vmul.f32 $8.000000000e+00, v4;
	_ =	sdelay $0x1  }
0x3b: {  	v4 =	vmul.f32 $1.442695020e+00, v4;
	_ =	sdelay $0x1  }
0x3c: {  	v5 =	vld [tilespmem:s22+$0x480];
	(erf) = vpow2.f32 v4  }
0x3d: {  	v4 =	vld [tilespmem:s22+$0x600];
	_ =	sdelay $0x3  }
0x3e: {  	(v2sf) =	vpush v5, $0x0  }
0x3f: {  	(v2sf) =	vpush v4, $0x0;
	_ =	sdelay $0x2  }
0x40: {  	v4 =	vpop (erf)  }
0x41: {  	v5 =	vmul.f32 $2.980958010e+03, v4  }
0x42: {  	v25 =	vmul.f32 $2.312378170e+03, v4  }
0x43: {  	v7 =	vmul.f32 $1.793749630e+03, v4;
	v5 =	vadd.f32 $1.000000000e+00, v5  }
0x44: {  	v8 =	vmul.f32 $1.391441040e+03, v4;
	v6 =	vadd.f32 $1.000000000e+00, v25  }
0x45: {  	v26 =	vmul.f32 $1.079363650e+03, v4;
	(erf) = vrcp.f32 v5;
	v5 =	vadd.f32 $1.000000000e+00, v7  }
0x46: {  	v28 =	vmul.f32 $8.372801510e+02, v4;
	v27 =	vadd.f32 $1.000000000e+00, v8;
	(erf) = vrcp.f32 v6  }
0x47: {  	v29 =	vmul.f32 $6.494919430e+02, v4;
	(erf) = vrcp.f32 v5;
	v5 =	vadd.f32 $1.000000000e+00, v26  }
0x48: {  	v31 =	vmul.f32 $5.038215940e+02, v4;
	v30 =	vadd.f32 $1.000000000e+00, v28;
	(erf) = vrcp.f32 v27  }
0x49: {  	v32 =	vmul.f32 $3.908226930e+02, v4;
	(erf) = vrcp.f32 v5;
	v5 =	vadd.f32 $1.000000000e+00, v29  }
0x4a: {  	v34 =	vmul.f32 $3.031675720e+02, v4;
	v33 =	vadd.f32 $1.000000000e+00, v31;
	(erf) = vrcp.f32 v30  }
0x4b: {  	v35 =	vmul.f32 $2.351720730e+02, v4;
	s31 =	spop (v2sf);
	(erf) = vrcp.f32 v5;
	v5 =	vadd.f32 $1.000000000e+00, v32  }
0x4c: {  	v37 =	vmul.f32 $1.824268340e+02, v4;
	v36 =	vadd.f32 $1.000000000e+00, v34;
	s23 =	spop (v2sf);
	(erf) = vrcp.f32 v33  }
0x4d: {  	v38 =	vmul.f32 $1.415114900e+02, v4;
	s22 =	sshll.u32 s31, $0xE;
	s23 =	sshll.u32 s23, $0xC;
	(erf) = vrcp.f32 v5;
	v5 =	vadd.f32 $1.000000000e+00, v35  }
0x4e: {  	v40 =	vmul.f32 $1.097727890e+02, v4;
	v39 =	vadd.f32 $1.000000000e+00, v37;
	s22 =	sshra.s32 s22, $0x2;
	s23 =	sshra.s32 s23, $0x2;
	v9 =	vpop (erf);
	(erf) = vrcp.f32 v36  }
0x4f: {  	v42 =	vmul.f32 $8.515255730e+01, v4;
	s22 =	sadd.s32 s23, s22;
	v41 =	vpop (erf);
	(erf) = vrcp.f32 v5;
	v5 =	vadd.f32 $1.000000000e+00, v38  }
0x50: {  	v45 =	vmul.f32 $6.605423740e+01, v4;
	v44 =	vadd.f32 $1.000000000e+00, v40;
	[tilespmem:s22+$0x980] =	vst.add.f32.msk $0xffff, v9;
	v43 =	vpop (erf);
	(erf) = vrcp.f32 v39  }
0x51: {  	v47 =	vmul.f32 $5.123935700e+01, v4;
	[tilespmem:s22+$0x990] =	vst.add.f32.msk $0xffff, v41;
	v46 =	vpop (erf);
	(erf) = vrcp.f32 v5;
	v5 =	vadd.f32 $1.000000000e+00, v42  }
0x52: {  	v50 =	vmul.f32 $3.974721150e+01, v4;
	v49 =	vadd.f32 $1.000000000e+00, v45;
	[tilespmem:s22+$0x9A0] =	vst.add.f32.msk $0xffff, v43;
	v48 =	vpop (erf);
	(erf) = vrcp.f32 v44  }
0x53: {  	v52 =	vmul.f32 $3.083256530e+01, v4;
	[tilespmem:s22+$0x9B0] =	vst.add.f32.msk $0xffff, v46;
	v51 =	vpop (erf);
	(erf) = vrcp.f32 v5;
	v5 =	vadd.f32 $1.000000000e+00, v47  }
0x54: {  	v55 =	vmul.f32 $2.391732790e+01, v4;
	v54 =	vadd.f32 $1.000000000e+00, v50;
	[tilespmem:s22+$0x9C0] =	vst.add.f32.msk $0xffff, v48;
	v53 =	vpop (erf);
	(erf) = vrcp.f32 v49  }
0x55: {  	v57 =	vmul.f32 $1.855306430e+01, v4;
	[tilespmem:s22+$0x9D0] =	vst.add.f32.msk $0xffff, v51;
	v56 =	vpop (erf);
	(erf) = vrcp.f32 v5;
	v5 =	vadd.f32 $1.000000000e+00, v52  }
0x56: {  	v60 =	vmul.f32 $1.439191630e+01, v4;
	v59 =	vadd.f32 $1.000000000e+00, v55;
	[tilespmem:s22+$0x9E0] =	vst.add.f32.msk $0xffff, v53;
	v58 =	vpop (erf);
	(erf) = vrcp.f32 v54  }
0x57: {  	v62 =	vmul.f32 $1.116404530e+01, v4;
	[tilespmem:s22+$0x9F0] =	vst.add.f32.msk $0xffff, v56;
	v61 =	vpop (erf);
	(erf) = vrcp.f32 v5;
	v5 =	vadd.f32 $1.000000000e+00, v57  }
0x58: {  	v13 =	vmul.f32 $8.660133360e+00, v4;
	v12 =	vadd.f32 $1.000000000e+00, v60;
	[tilespmem:s22+$0xA00] =	vst.add.f32.msk $0xffff, v58;
	v63 =	vpop (erf);
	(erf) = vrcp.f32 v59  }
0x59: {  	v15 =	vmul.f32 $6.717807770e+00, v4;
	[tilespmem:s22+$0xA10] =	vst.add.f32.msk $0xffff, v61;
	v14 =	vpop (erf);
	(erf) = vrcp.f32 v5;
	v5 =	vadd.f32 $1.000000000e+00, v62  }
0x5a: {  	v18 =	vmul.f32 $5.211113930e+00, v4;
	v17 =	vadd.f32 $1.000000000e+00, v13;
	[tilespmem:s22+$0xA20] =	vst.add.f32.msk $0xffff, v63;
	v16 =	vpop (erf);
	(erf) = vrcp.f32 v12  }
0x5b: {  	v20 =	vmul.f32 $4.042346950e+00, v4;
	[tilespmem:s22+$0xA30] =	vst.add.f32.msk $0xffff, v14;
	v19 =	vpop (erf);
	(erf) = vrcp.f32 v5;
	v5 =	vadd.f32 $1.000000000e+00, v15  }
0x5c: {  	v23 =	vmul.f32 $3.135714770e+00, v4;
	v22 =	vadd.f32 $1.000000000e+00, v18;
	[tilespmem:s22+$0xA40] =	vst.add.f32.msk $0xffff, v16;
	v21 =	vpop (erf);
	(erf) = vrcp.f32 v17  }
0x5d: {  	v25 =	vmul.f32 $2.432425500e+00, v4;
	[tilespmem:s22+$0xA50] =	vst.add.f32.msk $0xffff, v19;
	v24 =	vpop (erf);
	(erf) = vrcp.f32 v5;
	v5 =	vadd.f32 $1.000000000e+00, v20  }
0x5e: {  	v28 =	vmul.f32 $1.886872410e+00, v4;
	v27 =	vadd.f32 $1.000000000e+00, v23;
	[tilespmem:s22+$0xA60] =	vst.add.f32.msk $0xffff, v21;
	v26 =	vpop (erf);
	(erf) = vrcp.f32 v22  }
0x5f: {  	v30 =	vmul.f32 $1.463677880e+00, v4;
	[tilespmem:s22+$0xA70] =	vst.add.f32.msk $0xffff, v24;
	v29 =	vpop (erf);
	(erf) = vrcp.f32 v5;
	v5 =	vadd.f32 $1.000000000e+00, v25  }
0x60: {  	v32 =	vadd.f32 $1.000000000e+00, v28;
	v33 =	vmul.f32 $1.135398980e+00, v4;
	[tilespmem:s22+$0xA80] =	vst.add.f32.msk $0xffff, v26;
	v31 =	vpop (erf);
	(erf) = vrcp.f32 v27  }
0x61: {  	v35 =	vmul.f32 $8.807476750e-01, v4;
	[tilespmem:s22+$0xA90] =	vst.add.f32.msk $0xffff, v29;
	v34 =	vpop (erf);
	(erf) = vrcp.f32 v5;
	v5 =	vadd.f32 $1.000000000e+00, v30  }
0x62: {  	v37 =	vadd.f32 $1.000000000e+00, v33;
	v38 =	vmul.f32 $6.832104320e-01, v4;
	[tilespmem:s22+$0xAA0] =	vst.add.f32.msk $0xffff, v31;
	v36 =	vpop (erf);
	(erf) = vrcp.f32 v32  }
0x63: {  	v40 =	vmul.f32 $5.299775600e-01, v4;
	[tilespmem:s22+$0xAB0] =	vst.add.f32.msk $0xffff, v34;
	v39 =	vpop (erf);
	(erf) = vrcp.f32 v5;
	v5 =	vadd.f32 $1.000000000e+00, v35  }
0x64: {  	v42 =	vadd.f32 $1.000000000e+00, v38;
	v43 =	vmul.f32 $4.111122790e-01, v4;
	[tilespmem:s22+$0xAC0] =	vst.add.f32.msk $0xffff, v36;
	v41 =	vpop (erf);
	(erf) = vrcp.f32 v37  }
0x65: {  	v45 =	vmul.f32 $3.189065460e-01, v4;
	[tilespmem:s22+$0xAD0] =	vst.add.f32.msk $0xffff, v39;
	v44 =	vpop (erf);
	(erf) = vrcp.f32 v5;
	v5 =	vadd.f32 $1.000000000e+00, v40  }
0x66: {  	v47 =	vadd.f32 $1.000000000e+00, v43;
	v48 =	vmul.f32 $2.473810610e-01, v4;
	[tilespmem:s22+$0xAE0] =	vst.add.f32.msk $0xffff, v41;
	v46 =	vpop (erf);
	(erf) = vrcp.f32 v42  }
0x67: {  	v50 =	vmul.f32 $1.918975410e-01, v4;
	[tilespmem:s22+$0xAF0] =	vst.add.f32.msk $0xffff, v44;
	v49 =	vpop (erf);
	(erf) = vrcp.f32 v5;
	v5 =	vadd.f32 $1.000000000e+00, v45  }
0x68: {  	v52 =	vadd.f32 $1.000000000e+00, v48;
	v53 =	vmul.f32 $1.488580850e-01, v4;
	[tilespmem:s22+$0xB00] =	vst.add.f32.msk $0xffff, v46;
	v51 =	vpop (erf);
	(erf) = vrcp.f32 v47  }
0x69: {  	v55 =	vmul.f32 $1.154716610e-01, v4;
	[tilespmem:s22+$0xB10] =	vst.add.f32.msk $0xffff, v49;
	v54 =	vpop (erf);
	(erf) = vrcp.f32 v5;
	v5 =	vadd.f32 $1.000000000e+00, v50  }
0x6a: {  	v57 =	vadd.f32 $1.000000000e+00, v53;
	v58 =	vmul.f32 $8.957326410e-02, v4;
	[tilespmem:s22+$0xB20] =	vst.add.f32.msk $0xffff, v51;
	v56 =	vpop (erf);
	(erf) = vrcp.f32 v52  }
0x6b: {  	v60 =	vmul.f32 $6.948345150e-02, v4;
	[tilespmem:s22+$0xB30] =	vst.add.f32.msk $0xffff, v54;
	v59 =	vpop (erf);
	(erf) = vrcp.f32 v5;
	v5 =	vadd.f32 $1.000000000e+00, v55  }
0x6c: {  	v62 =	vadd.f32 $1.000000000e+00, v58;
	v63 =	vmul.f32 $5.389945580e-02, v4;
	[tilespmem:s22+$0xB40] =	vst.add.f32.msk $0xffff, v56;
	v61 =	vpop (erf);
	(erf) = vrcp.f32 v57  }
0x6d: {  	v13 =	vmul.f32 $4.181069140e-02, v4;
	[tilespmem:s22+$0xB50] =	vst.add.f32.msk $0xffff, v59;
	v12 =	vpop (erf);
	(erf) = vrcp.f32 v5;
	v5 =	vadd.f32 $1.000000000e+00, v60  }
0x6e: {  	v15 =	vadd.f32 $1.000000000e+00, v63;
	v16 =	vmul.f32 $3.243324160e-02, v4;
	[tilespmem:s22+$0xB60] =	vst.add.f32.msk $0xffff, v61;
	v14 =	vpop (erf);
	(erf) = vrcp.f32 v62  }
0x6f: {  	v18 =	vmul.f32 $2.515899760e-02, v4;
	[tilespmem:s22+$0xB70] =	vst.add.f32.msk $0xffff, v12;
	v17 =	vpop (erf);
	(erf) = vrcp.f32 v5;
	v5 =	vadd.f32 $1.000000000e+00, v13  }
0x70: {  	v20 =	vadd.f32 $1.000000000e+00, v16;
	v21 =	vmul.f32 $1.951624830e-02, v4;
	[tilespmem:s22+$0xB80] =	vst.add.f32.msk $0xffff, v14;
	v19 =	vpop (erf);
	(erf) = vrcp.f32 v15  }
0x71: {  	v23 =	vmul.f32 $1.513907410e-02, v4;
	[tilespmem:s22+$0xB90] =	vst.add.f32.msk $0xffff, v17;
	v22 =	vpop (erf);
	(erf) = vrcp.f32 v5;
	v5 =	vadd.f32 $1.000000000e+00, v18  }
0x72: {  	v25 =	vadd.f32 $1.000000000e+00, v21;
	v26 =	vmul.f32 $1.174362840e-02, v4;
	[tilespmem:s22+$0xBA0] =	vst.add.f32.msk $0xffff, v19;
	v24 =	vpop (erf);
	(erf) = vrcp.f32 v20  }
0x73: {  	v28 =	vmul.f32 $9.109725240e-03, v4;
	[tilespmem:s22+$0xBB0] =	vst.add.f32.msk $0xffff, v22;
	v27 =	vpop (erf);
	(erf) = vrcp.f32 v5;
	v5 =	vadd.f32 $1.000000000e+00, v23  }
0x74: {  	v30 =	vadd.f32 $1.000000000e+00, v26;
	v31 =	vmul.f32 $7.066563700e-03, v4;
	[tilespmem:s22+$0xBC0] =	vst.add.f32.msk $0xffff, v24;
	v29 =	vpop (erf);
	(erf) = vrcp.f32 v25  }
0x75: {  	v33 =	vmul.f32 $5.481649660e-03, v4;
	[tilespmem:s22+$0xBD0] =	vst.add.f32.msk $0xffff, v27;
	v32 =	vpop (erf);
	(erf) = vrcp.f32 v5;
	v5 =	vadd.f32 $1.000000000e+00, v28  }
0x76: {  	v35 =	vadd.f32 $1.000000000e+00, v31;
	v36 =	vmul.f32 $4.252205600e-03, v4;
	[tilespmem:s22+$0xBE0] =	vst.add.f32.msk $0xffff, v29;
	v34 =	vpop (erf);
	(erf) = vrcp.f32 v30  }
0x77: {  	v38 =	vmul.f32 $3.298505680e-03, v4;
	[tilespmem:s22+$0xBF0] =	vst.add.f32.msk $0xffff, v32;
	v37 =	vpop (erf);
	(erf) = vrcp.f32 v5;
	v5 =	vadd.f32 $1.000000000e+00, v33  }
0x78: {  	v40 =	vadd.f32 $1.000000000e+00, v36;
	v41 =	vmul.f32 $2.558705160e-03, v4;
	[tilespmem:s22+$0xC00] =	vst.add.f32.msk $0xffff, v34;
	v39 =	vpop (erf);
	(erf) = vrcp.f32 v35  }
0x79: {  	v43 =	vmul.f32 $1.984829550e-03, v4;
	[tilespmem:s22+$0xC10] =	vst.add.f32.msk $0xffff, v37;
	v42 =	vpop (erf);
	(erf) = vrcp.f32 v5;
	v5 =	vadd.f32 $1.000000000e+00, v38  }
0x7a: {  	v45 =	vadd.f32 $1.000000000e+00, v41;
	v46 =	vmul.f32 $1.539664930e-03, v4;
	[tilespmem:s22+$0xC20] =	vst.add.f32.msk $0xffff, v39;
	v44 =	vpop (erf);
	(erf) = vrcp.f32 v40  }
0x7b: {  	v48 =	vmul.f32 $1.194343320e-03, v4;
	[tilespmem:s22+$0xC30] =	vst.add.f32.msk $0xffff, v42;
	v47 =	vpop (erf);
	(erf) = vrcp.f32 v5;
	v5 =	vadd.f32 $1.000000000e+00, v43  }
0x7c: {  	v50 =	vadd.f32 $1.000000000e+00, v46;
	v51 =	vmul.f32 $9.264717810e-04, v4;
	[tilespmem:s22+$0xC40] =	vst.add.f32.msk $0xffff, v44;
	v49 =	vpop (erf);
	(erf) = vrcp.f32 v45  }
0x7d: {  	v53 =	vmul.f32 $7.186793950e-04, v4;
	[tilespmem:s22+$0xC50] =	vst.add.f32.msk $0xffff, v47;
	v52 =	vpop (erf);
	(erf) = vrcp.f32 v5;
	v5 =	vadd.f32 $1.000000000e+00, v48  }
0x7e: {  	v58 =	vmul.f32 $4.324552430e-04, v4;
	v55 =	vadd.f32 $1.000000000e+00, v51;
	[tilespmem:s22+$0xC60] =	vst.add.f32.msk $0xffff, v49;
	v54 =	vpop (erf);
	(erf) = vrcp.f32 v50  }
0x7f: {  	v56 =	vmul.f32 $5.574913810e-04, v4;
	[tilespmem:s22+$0xC70] =	vst.add.f32.msk $0xffff, v52;
	v57 =	vpop (erf);
	(erf) = vrcp.f32 v5;
	v5 =	vadd.f32 $1.000000000e+00, v53  }
0x80: {  	v4 =	vmul.f32 $3.354626240e-04, v4;
	[tilespmem:s22+$0xC80] =	vst.add.f32.msk $0xffff, v54;
	v59 =	vpop (erf);
	(erf) = vrcp.f32 v55  }
0x81: {  	v60 =	vadd.f32 $1.000000000e+00, v56;
	[tilespmem:s22+$0xC90] =	vst.add.f32.msk $0xffff, v57;
	v61 =	vpop (erf);
	(erf) = vrcp.f32 v5;
	v5 =	vadd.f32 $1.000000000e+00, v58  }
0x82: {  	v4 =	vadd.f32 $1.000000000e+00, v4;
	[tilespmem:s22+$0xCA0] =	vst.add.f32.msk $0xffff, v59  }
0x83: {  	[tilespmem:s22+$0xCB0] =	vst.add.f32.msk $0xffff, v61;
	v62 =	vpop (erf);
	(erf) = vrcp.f32 v60  }
0x84: {  	[tilespmem:s22+$0xCC0] =	vst.add.f32.msk $0xffff, v62;
	v63 =	vpop (erf);
	(erf) = vrcp.f32 v5  }
0x85: {  	[tilespmem:s22+$0xCD0] =	vst.add.f32.msk $0xffff, v63;
	v5 =	vpop (erf);
	(erf) = vrcp.f32 v4  }
0x86: {  	v4 =	vpop (erf);
	[tilespmem:s22+$0xCE0] =	vst.add.f32.msk $0xffff, v5  }
0x87: {  	v5 =	vpop (erf);
	[tilespmem:s22+$0xCF0] =	vst.add.f32.msk $0xffff, v4  }
0x88: {  	v4 =	vpop (erf);
	[tilespmem:s22+$0xD00] =	vst.add.f32.msk $0xffff, v5  }
0x89: {  	v5 =	vpop (erf);
	[tilespmem:s22+$0xD10] =	vst.add.f32.msk $0xffff, v4  }
0x8a: {  	p0 =	sne.s32 s21, $0x3FC;
	v4 =	vpop (erf);
	[tilespmem:s22+$0xD20] =	vst.add.f32.msk $0xffff, v5  }
.Ltmp1:
0x8b: {  	v5 =	vpop (erf);
	[tilespmem:s22+$0xD30] =	vst.add.f32.msk $0xffff, v4;
	(pc) =	sbr.rel @p0 .LBB2_4-.Ltmp1, $4  }
0x8c: {  	v4 =	vpop (erf);
	[tilespmem:s22+$0xD40] =	vst.add.f32.msk $0xffff, v5  }
0x8d: {  	v5 =	vpop (erf);
	[tilespmem:s22+$0xD50] =	vst.add.f32.msk $0xffff, v4  }
0x8e: {  	[tilespmem:s22+$0xD60] =	vst.add.f32.msk $0xffff, v5;
	v4 =	vpop (erf)  }
0x8f: {  	s21 =	sadd.s32 $0x4, s21;
	[tilespmem:s22+$0xD70] =	vst.add.f32.msk $0xffff, v4  }
0x90: {  	s20 =	sadd.s32 $0x1, s20  }
0x91: {  	p0 =	sne.s32 s20, s10  }
.Ltmp2:
0x92: {  	_ = 	snop;
	(pc) =	sbr.rel @p0 .LBB2_1-.Ltmp2, $4  }
0x93: {  	[hbm4b:s9+s17] =	stream.strided.scatter [tilespmem:s19], [sflag:$0x1], $0x10000, s18, s17, $0x38;
	[tilespmem:$0x10980] =	vst v63  }
0x94: {  	_ =	swait.ge [sflag:s11], $0x10000  }
0x95: {  	[sflag:s11] =	ssyncset.done $0x0  }
0x96: {  	[sflag:s11] =	ssyncadd.s32 $0xFFFF0000  }
0x97: {  	_ =	sfence.sel $0x180000  }
0x98: {  	[bflag:$0x0] =	sbarrier.arrive $0xFFFF  }
0x99: {  	p0 =	sne.s32 s2, $0x0;
	_ =	strace $0x90000047  }
0x9a: {  	s0 =	sadd.s32 @!p0 $0x100000, s0;
	[bflag:$0x2] =	sbarrier.arrive $0xFFFF  }
0x9b: {  	[sflag:s0] =	ssyncadd.tile.s32 @!p0 $0x1;
	_ =	shalt  }
.Lfunc_end2:
_tile_overlayer_lowered:
.L_overlay_start_2:
0x9c: {  	(tag) =	ssettag $0x2  }
0x9d: {  	s0 =	rddreg [dreg:$0x0];
	s2 =	stileid.u32  }
0x9e: {  	s1 =	rddreg [dreg:$0x1];
	p0 =	sne.s32 s2, $0x0  }
0x9f: {  	s3 =	rddreg [dreg:$0x2];
	[bflag:$0x3] =	sbarrier.arrive $0xFFFF;
	s2 =	simm.s32 @!p0 $0x1C01  }
0xa0: {  	[timem:s3], [sflag:s2] =	dma.local @!p0 [hbm:s0], s1  }
0xa1: {  	s0 =	simm.s32 @!p0 $0x1  }
0xa2: {  	_ =	swait.ge @!p0 [sflag:s0], s1  }
0xa3: {  	s1 =	ssub.s32 @!p0 $0x0, s1;
	[sflag:s0] =	ssyncset.done @!p0 $0x0  }
0xa4: {  	[sflag:s0] =	ssyncadd.s32 @!p0 s1  }
0xa5: {  	[bflag:$0x3] =	sbarrier.arrive $0xFFFF  }
0xa6: {  	_ =	shalt  }

</sc_bundles>
